<compile_context>
chip_gen: v7x
topology: tpu7x:2x2x1
jax: 0.10.2.dev20260603
libtpu: 0.0.44.dev20260713+nightly
codegen_flags: <defaults>
</compile_context>

<pallas_src>
import functools

import jax
import jax.numpy as jnp
from jax import lax
from jax.experimental import pallas as pl
from jax.experimental.pallas import tpu as pltpu
from jax.experimental.pallas import tpu_sc as plsc

_E = 64
_C = 768
_H = 3072
_S = 2048
_CH = 64
_LOG2_CH = 6
_Q = 8
_NPAD = 2560
_NW = 32
_BPW = _S // _NW
_CW = _C + 128


def _gate_body(x_ref, gw_ref, logits_ref, dest_ref, val_ref, cnt_ref, off_ref):
    xf = x_ref[...]
    logits = lax.dot_general(
        xf, gw_ref[...], (((1,), (1,)), ((), ())),
        preferred_element_type=jnp.float32)
    logits_ref[...] = logits

    m = jnp.max(logits, axis=1, keepdims=True)
    ssum = jnp.sum(jnp.exp(logits - m), axis=1, keepdims=True)
    top_val = 1.0 / ssum

    lane = lax.broadcasted_iota(jnp.int32, (_S, _E), 1)
    ids = jnp.min(jnp.where(logits == m, lane, _E), axis=1, keepdims=True)
    onehot = (lane == ids).astype(jnp.float32)

    counts = jnp.sum(onehot, axis=0, keepdims=True)

    r = lax.broadcasted_iota(jnp.int32, (128, 128), 0)
    c = lax.broadcasted_iota(jnp.int32, (128, 128), 1)
    tri = (c < r).astype(jnp.float32)
    blocks = []
    carry = jnp.zeros((1, _E), jnp.float32)
    for b in range(_S // 128):
        blk = onehot[b * 128:(b + 1) * 128]
        rb = lax.dot_general(tri, blk, (((1,), (0,)), ((), ())),
                             preferred_element_type=jnp.float32) + carry
        blocks.append(rb)
        carry = carry + jnp.sum(blk, axis=0, keepdims=True)
    rank_m = jnp.concatenate(blocks, axis=0)
    rank = jnp.sum(rank_m * onehot, axis=1, keepdims=True)

    ci = counts.astype(jnp.int32)
    pci = ((ci + (_Q - 1)) >> 3) << 3
    re = lax.broadcasted_iota(jnp.int32, (_E, _E), 0)
    ce = lax.broadcasted_iota(jnp.int32, (_E, _E), 1)
    upper = (re < ce).astype(jnp.float32)
    offs = lax.dot_general(pci.astype(jnp.float32), upper,
                           (((1,), (0,)), ((), ())),
                           preferred_element_type=jnp.float32)

    off_tok = jnp.sum(onehot * offs, axis=1, keepdims=True)
    dest_ref[...] = (off_tok + rank).astype(jnp.int32)
    val_ref[...] = jnp.broadcast_to(top_val, (_S, 128))
    cnt_ref[...] = ci
    off_ref[...] = offs.astype(jnp.int32)


def _erf(z):
    az = jnp.abs(z)
    t = 1.0 / (1.0 + 0.3275911 * az)
    poly = t * (0.254829592 + t * (-0.284496736 + t * (1.421413741
               + t * (-1.453152027 + t * 1.061405429))))
    e = 1.0 - poly * jnp.exp(-az * az)
    return jnp.where(z < 0, -e, e)


def _gelu(z):
    return 0.5 * z * (1.0 + _erf(z * 0.7071067811865476))


def _gemm_body(cnt_ref, off_ref, w1_ref, w2_ref, xs_ref, ys_ref):
    e = pl.program_id(0)
    j = pl.program_id(1)
    start = off_ref[0, e]
    cnt = cnt_ref[0, e]
    nch = (cnt + (_CH - 1)) >> _LOG2_CH

    def chunk(i, _):
        off = pl.multiple_of(start + i * _CH, _Q)
        slab = xs_ref[pl.ds(off, _CH), :]
        xa = slab[:, :_C]
        dw = slab[:, _C:_C + 1]
        h = _gelu(jnp.dot(xa, w1_ref[...],
                          preferred_element_type=jnp.float32))
        o = jnp.dot(h, w2_ref[...], preferred_element_type=jnp.float32)
        o = o * dw

        @pl.when(j == 0)
        def _():
            ys_ref[pl.ds(off, _CH), :] = o

        @pl.when(j == 1)
        def _():
            ys_ref[pl.ds(off, _CH), :] += o

        return 0

    lax.fori_loop(0, nch, chunk, 0)


@functools.cache
def _sc_kernels():
    mesh = plsc.VectorSubcoreMesh(core_axis_name="c", subcore_axis_name="s",
                                  num_cores=2, num_subcores=16)

    @functools.partial(
        pl.kernel,
        out_type=jax.ShapeDtypeStruct((_NPAD, _CW), jnp.float32),
        mesh=mesh,
        scratch_types=[pltpu.VMEM((_BPW,), jnp.int32),
                       pltpu.VMEM((_BPW, _CW), jnp.float32),
                       pltpu.SemaphoreType.DMA,
                       pltpu.SemaphoreType.DMA],
    )
    def sc_scatter(x_hbm, v_hbm, d_hbm, xs_hbm, idx_v, rows_v, sem, sem2):
        wid = lax.axis_index("s") * 2 + lax.axis_index("c")
        base = wid * _BPW
        cx = pltpu.async_copy(x_hbm.at[pl.ds(base, _BPW)],
                              rows_v.at[:, pl.ds(0, _C)], sem)
        cv = pltpu.async_copy(v_hbm.at[pl.ds(base, _BPW)],
                              rows_v.at[:, pl.ds(_C, 128)], sem2)
        pltpu.sync_copy(d_hbm.at[pl.ds(base, _BPW)], idx_v)
        cx.wait()
        cv.wait()
        pltpu.async_copy(rows_v, xs_hbm.at[idx_v], sem).wait()

    @functools.partial(
        pl.kernel,
        out_type=jax.ShapeDtypeStruct((_S, _C), jnp.float32),
        mesh=mesh,
        scratch_types=[pltpu.VMEM((_BPW,), jnp.int32),
                       pltpu.VMEM((_BPW, _C), jnp.float32),
                       pltpu.SemaphoreType.DMA],
    )
    def sc_gather(ys_hbm, d_hbm, out_hbm, idx_v, rows_v, sem):
        wid = lax.axis_index("s") * 2 + lax.axis_index("c")
        base = wid * _BPW
        pltpu.sync_copy(d_hbm.at[pl.ds(base, _BPW)], idx_v)
        pltpu.async_copy(ys_hbm.at[idx_v], rows_v, sem).wait()
        pltpu.sync_copy(rows_v, out_hbm.at[pl.ds(base, _BPW)])

    return sc_scatter, sc_gather


def kernel(x, gate_w, w1, w2):
    B, T, C = x.shape
    flat = x.reshape(_S, _C)

    logits, dest, val16, counts, offs = pl.pallas_call(
        _gate_body,
        out_shape=(
            jax.ShapeDtypeStruct((_S, _E), jnp.float32),
            jax.ShapeDtypeStruct((_S, 1), jnp.int32),
            jax.ShapeDtypeStruct((_S, 128), jnp.float32),
            jax.ShapeDtypeStruct((1, _E), jnp.int32),
            jax.ShapeDtypeStruct((1, _E), jnp.int32),
        ),
    )(flat, gate_w)

    sc_scatter, sc_gather = _sc_kernels()
    dest1 = dest.reshape(_S)
    xs = sc_scatter(flat, val16, dest1)

    ys = pl.pallas_call(
        _gemm_body,
        grid=(_E, 2),
        in_specs=[
            pl.BlockSpec(memory_space=pltpu.SMEM),
            pl.BlockSpec(memory_space=pltpu.SMEM),
            pl.BlockSpec((None, _C, _H // 2), lambda e, j: (e, 0, j)),
            pl.BlockSpec((None, _H // 2, _C), lambda e, j: (e, j, 0)),
            pl.BlockSpec((_NPAD, _CW), lambda e, j: (0, 0)),
        ],
        out_specs=pl.BlockSpec((_NPAD, _C), lambda e, j: (0, 0)),
        out_shape=jax.ShapeDtypeStruct((_NPAD, _C), jnp.float32),
        compiler_params=pltpu.CompilerParams(
            dimension_semantics=("arbitrary", "arbitrary")),
    )(counts, offs, w1, w2, xs)

    out = sc_gather(ys, dest1)
    return out.reshape(B, T, C), logits

# --- scband reference (transcript-rebuilt; emitter-appended) ---
"""Pipeline reference for scband-switch-feed-forward-9955734192320 (READ-ONLY COPY).

The authoritative reference and input builder live on the scoring server;
editing this copy changes nothing except your own understanding.
"""

import jax, jax.numpy as jnp
import numpy as np

NUM_EXPERTS = 64
TOP_K = 1
MODEL_DIM = 768
HIDDEN_DIM = 3072


def setup_inputs(seed: int = 0) -> dict:
    key = jax.random.key(seed)
    k1, k2, k3, k4 = jax.random.split(key, 4)
    x = jax.random.normal(k1, (1, 2048, MODEL_DIM), dtype=jnp.float32)
    # gate: torch nn.Linear(model_dim, num_experts, bias=False) -> weight [E, C]
    gate_w = jax.random.normal(k2, (NUM_EXPERTS, MODEL_DIM), dtype=jnp.float32) * 0.02
    # experts: Linear(C->H) then Linear(H->C), both bias=False; stored pre-transposed
    w1 = jax.random.normal(k3, (NUM_EXPERTS, MODEL_DIM, HIDDEN_DIM), dtype=jnp.float32) * 0.02
    w2 = jax.random.normal(k4, (NUM_EXPERTS, HIDDEN_DIM, MODEL_DIM), dtype=jnp.float32) * 0.02
    return {"x": x, "gate_w": gate_w, "w1": w1, "w2": w2}


def reference(x, gate_w, w1, w2):
    B, T, C = x.shape
    S = B * T
    flat = x.reshape(S, C)
    logits = flat @ gate_w.T                      # [S, E]
    probs = jax.nn.softmax(logits, axis=-1)
    top_val, top_idx = jax.lax.top_k(probs, TOP_K)  # [S, top_k]
    dispatch_ids = top_idx.reshape(-1)               # [S*top_k]
    dispatch_w = top_val.reshape(-1)                 # [S*top_k]

    def body(eid, out):
        mask = (dispatch_ids == eid).astype(flat.dtype)          # [S]
        h = jax.nn.gelu(flat @ w1[eid], approximate=False)        # exact GELU like torch nn.GELU()
        o = (h @ w2[eid]) * dispatch_w[:, None]
        return out + o * mask[:, None]

    out = jax.lax.fori_loop(0, NUM_EXPERTS, body, jnp.zeros_like(flat))
    return out.reshape(B, T, C), logits

if __name__ == "__main__":
    import jax
    _d = setup_inputs()
    print(jax.jit(kernel)(*tuple(_d.values())))

</pallas_src>

<mosaic_0001>
#map = affine_map<(d0, d1) -> (0, 0)>
#map1 = affine_map<(d0, d1) -> (0)>
module attributes {stable_mosaic.version = 14 : i64} {
  func.func @sc_gather(%arg0: i32, %arg1: i32, %arg2: memref<2560x768xf32, #tpu.memory_space<hbm>>, %arg3: memref<2048xi32, #tpu.memory_space<hbm>>, %arg4: memref<2048x768xf32, #tpu.memory_space<hbm>>, %arg5: memref<64xi32, #tpu.memory_space<vmem>>, %arg6: memref<64x768xf32, #tpu.memory_space<vmem>>, %arg7: memref<!tpu.dma_semaphore, #tpu.memory_space<semaphore_mem>>) attributes {dimension_semantics = [#tpu.dimension_semantics<core_parallel>, #tpu.dimension_semantics<subcore_parallel>], iteration_bounds = array<i64: 2, 16>, scalar_prefetch = 0 : i64, scratch_operands = 3 : i64, tpu.core_type = #tpu.core_type<sc_vector_subcore>, window_params = [{transform_indices = #map}, {transform_indices = #map1}, {transform_indices = #map}]} {
    %mul3A = arith.constant 2 : i32
    %mul3A_0 = arith.muli %arg1, %mul3A : i32
    %add3A = arith.addi %mul3A_0, %arg0 : i32
    %mul3A_1 = arith.constant 64 : i32
    %mul3A_2 = arith.muli %add3A, %mul3A_1 : i32
    "tpu.region"() ({
      %run_scoped3A = tpu.sem_alloc : memref<!tpu.dma_semaphore, #tpu.memory_space<semaphore_mem>>
      %dma_start3A_7 = tpu.memref_slice %arg3[%mul3A_2] : memref<2048xi32, #tpu.memory_space<hbm>> -> memref<64xi32, #tpu.memory_space<hbm>>
      %dma_start3A_8 = tpu.memref_slice %arg3[%mul3A_2] : memref<2048xi32, #tpu.memory_space<hbm>> -> memref<64xi32, #tpu.memory_space<hbm>>
      tpu.enqueue_dma source(%dma_start3A_8 : memref<64xi32, #tpu.memory_space<hbm>>) target(%arg5 : memref<64xi32, #tpu.memory_space<vmem>>) target_semaphore(%run_scoped3A : memref<!tpu.dma_semaphore, #tpu.memory_space<semaphore_mem>>)
      %dma_wait3A_9 = tpu.memref_slice %arg3[%mul3A_2] : memref<2048xi32, #tpu.memory_space<hbm>> -> memref<64xi32, #tpu.memory_space<hbm>>
      %dma_wait3A_10 = tpu.memref_slice %arg3[%mul3A_2] : memref<2048xi32, #tpu.memory_space<hbm>> -> memref<64xi32, #tpu.memory_space<hbm>>
      tpu.wait_dma2 semaphore(%run_scoped3A : memref<!tpu.dma_semaphore, #tpu.memory_space<semaphore_mem>>) src(%dma_wait3A_10 : memref<64xi32, #tpu.memory_space<hbm>>) dst(%arg5 : memref<64xi32, #tpu.memory_space<vmem>>)
      tpu.yield
    }) : () -> ()
    %dma_start3A = arith.constant 0 : i32
    %dma_start3A_3 = arith.constant 0 : i32
    %dma_start3A_4 = tpu.memref_slice %arg2[%dma_start3A, %dma_start3A_3] : memref<2560x768xf32, #tpu.memory_space<hbm>> -> memref<2560x768xf32, #tpu.memory_space<hbm>>
    tpu.enqueue_indirect_dma source(%dma_start3A_4 : memref<2560x768xf32, #tpu.memory_space<hbm>>) target(%arg6 : memref<64x768xf32, #tpu.memory_space<vmem>>) offsets(%arg5 : memref<64xi32, #tpu.memory_space<vmem>>) semaphore(%arg7 : memref<!tpu.dma_semaphore, #tpu.memory_space<semaphore_mem>>)
    %dma_wait3A = arith.constant 0 : i32
    %dma_wait3A_5 = arith.constant 0 : i32
    %dma_wait3A_6 = tpu.memref_slice %arg2[%dma_wait3A, %dma_wait3A_5] : memref<2560x768xf32, #tpu.memory_space<hbm>> -> memref<2560x768xf32, #tpu.memory_space<hbm>>
    tpu.wait_indirect_dma semaphore(%arg7 : memref<!tpu.dma_semaphore, #tpu.memory_space<semaphore_mem>>) src(%dma_wait3A_6 : memref<2560x768xf32, #tpu.memory_space<hbm>>) dst(%arg6 : memref<64x768xf32, #tpu.memory_space<vmem>>)
    "tpu.region"() ({
      %run_scoped3A = tpu.sem_alloc : memref<!tpu.dma_semaphore, #tpu.memory_space<semaphore_mem>>
      %dma_start3A_7 = arith.constant 0 : i32
      %dma_start3A_8 = tpu.memref_slice %arg4[%mul3A_2, %dma_start3A_7] : memref<2048x768xf32, #tpu.memory_space<hbm>> -> memref<64x768xf32, #tpu.memory_space<hbm>>
      %dma_start3A_9 = arith.constant 0 : i32
      %dma_start3A_10 = tpu.memref_slice %arg4[%mul3A_2, %dma_start3A_9] : memref<2048x768xf32, #tpu.memory_space<hbm>> -> memref<64x768xf32, #tpu.memory_space<hbm>>
      tpu.enqueue_dma source(%arg6 : memref<64x768xf32, #tpu.memory_space<vmem>>) target(%dma_start3A_10 : memref<64x768xf32, #tpu.memory_space<hbm>>) target_semaphore(%run_scoped3A : memref<!tpu.dma_semaphore, #tpu.memory_space<semaphore_mem>>)
      %dma_wait3A_11 = arith.constant 0 : i32
      %dma_wait3A_12 = tpu.memref_slice %arg4[%mul3A_2, %dma_wait3A_11] : memref<2048x768xf32, #tpu.memory_space<hbm>> -> memref<64x768xf32, #tpu.memory_space<hbm>>
      %dma_wait3A_13 = arith.constant 0 : i32
      %dma_wait3A_14 = tpu.memref_slice %arg4[%mul3A_2, %dma_wait3A_13] : memref<2048x768xf32, #tpu.memory_space<hbm>> -> memref<64x768xf32, #tpu.memory_space<hbm>>
      tpu.wait_dma2 semaphore(%run_scoped3A : memref<!tpu.dma_semaphore, #tpu.memory_space<semaphore_mem>>) src(%arg6 : memref<64x768xf32, #tpu.memory_space<vmem>>) dst(%dma_wait3A_14 : memref<64x768xf32, #tpu.memory_space<hbm>>)
      tpu.yield
    }) : () -> ()
    return
  }
}

#map = affine_map<(d0, d1) -> (0, 0)>
#map1 = affine_map<(d0, d1) -> (0)>
module attributes {stable_mosaic.version = 14 : i64} {
  func.func @sc_scatter(%arg0: i32, %arg1: i32, %arg2: memref<2048x768xf32, #tpu.memory_space<hbm>>, %arg3: memref<2048x128xf32, #tpu.memory_space<hbm>>, %arg4: memref<2048xi32, #tpu.memory_space<hbm>>, %arg5: memref<2560x896xf32, #tpu.memory_space<hbm>>, %arg6: memref<64xi32, #tpu.memory_space<vmem>>, %arg7: memref<64x896xf32, #tpu.memory_space<vmem>>, %arg8: memref<!tpu.dma_semaphore, #tpu.memory_space<semaphore_mem>>, %arg9: memref<!tpu.dma_semaphore, #tpu.memory_space<semaphore_mem>>) attributes {dimension_semantics = [#tpu.dimension_semantics<core_parallel>, #tpu.dimension_semantics<subcore_parallel>], iteration_bounds = array<i64: 2, 16>, scalar_prefetch = 0 : i64, scratch_operands = 4 : i64, tpu.core_type = #tpu.core_type<sc_vector_subcore>, window_params = [{transform_indices = #map}, {transform_indices = #map}, {transform_indices = #map1}, {transform_indices = #map}]} {
    %mul3A = arith.constant 2 : i32
    %mul3A_0 = arith.muli %arg1, %mul3A : i32
    %add3A = arith.addi %mul3A_0, %arg0 : i32
    %mul3A_1 = arith.constant 64 : i32
    %mul3A_2 = arith.muli %add3A, %mul3A_1 : i32
    %dma_start3A = arith.constant 0 : i32
    %dma_start3A_3 = arith.constant 0 : i32
    %dma_start3A_4 = tpu.memref_slice %arg7[%dma_start3A, %dma_start3A_3] : memref<64x896xf32, #tpu.memory_space<vmem>> -> memref<64x768xf32, #tpu.memory_space<vmem>>
    %dma_start3A_5 = arith.constant 0 : i32
    %dma_start3A_6 = tpu.memref_slice %arg2[%mul3A_2, %dma_start3A_5] : memref<2048x768xf32, #tpu.memory_space<hbm>> -> memref<64x768xf32, #tpu.memory_space<hbm>>
    %dma_start3A_7 = arith.constant 0 : i32
    %dma_start3A_8 = arith.constant 0 : i32
    %dma_start3A_9 = tpu.memref_slice %arg7[%dma_start3A_7, %dma_start3A_8] : memref<64x896xf32, #tpu.memory_space<vmem>> -> memref<64x768xf32, #tpu.memory_space<vmem>>
    %dma_start3A_10 = arith.constant 0 : i32
    %dma_start3A_11 = tpu.memref_slice %arg2[%mul3A_2, %dma_start3A_10] : memref<2048x768xf32, #tpu.memory_space<hbm>> -> memref<64x768xf32, #tpu.memory_space<hbm>>
    tpu.enqueue_dma source(%dma_start3A_11 : memref<64x768xf32, #tpu.memory_space<hbm>>) target(%dma_start3A_9 : memref<64x768xf32, #tpu.memory_space<vmem>>) target_semaphore(%arg8 : memref<!tpu.dma_semaphore, #tpu.memory_space<semaphore_mem>>)
    %dma_start3A_12 = arith.constant 0 : i32
    %dma_start3A_13 = arith.constant 768 : i32
    %dma_start3A_14 = tpu.memref_slice %arg7[%dma_start3A_12, %dma_start3A_13] : memref<64x896xf32, #tpu.memory_space<vmem>> -> memref<64x128xf32, #tpu.memory_space<vmem>>
    %dma_start3A_15 = arith.constant 0 : i32
    %dma_start3A_16 = tpu.memref_slice %arg3[%mul3A_2, %dma_start3A_15] : memref<2048x128xf32, #tpu.memory_space<hbm>> -> memref<64x128xf32, #tpu.memory_space<hbm>>
    %dma_start3A_17 = arith.constant 0 : i32
    %dma_start3A_18 = arith.constant 768 : i32
    %dma_start3A_19 = tpu.memref_slice %arg7[%dma_start3A_17, %dma_start3A_18] : memref<64x896xf32, #tpu.memory_space<vmem>> -> memref<64x128xf32, #tpu.memory_space<vmem>>
    %dma_start3A_20 = arith.constant 0 : i32
    %dma_start3A_21 = tpu.memref_slice %arg3[%mul3A_2, %dma_start3A_20] : memref<2048x128xf32, #tpu.memory_space<hbm>> -> memref<64x128xf32, #tpu.memory_space<hbm>>
    tpu.enqueue_dma source(%dma_start3A_21 : memref<64x128xf32, #tpu.memory_space<hbm>>) target(%dma_start3A_19 : memref<64x128xf32, #tpu.memory_space<vmem>>) target_semaphore(%arg9 : memref<!tpu.dma_semaphore, #tpu.memory_space<semaphore_mem>>)
    "tpu.region"() ({
      %run_scoped3A = tpu.sem_alloc : memref<!tpu.dma_semaphore, #tpu.memory_space<semaphore_mem>>
      %dma_start3A_47 = tpu.memref_slice %arg4[%mul3A_2] : memref<2048xi32, #tpu.memory_space<hbm>> -> memref<64xi32, #tpu.memory_space<hbm>>
      %dma_start3A_48 = tpu.memref_slice %arg4[%mul3A_2] : memref<2048xi32, #tpu.memory_space<hbm>> -> memref<64xi32, #tpu.memory_space<hbm>>
      tpu.enqueue_dma source(%dma_start3A_48 : memref<64xi32, #tpu.memory_space<hbm>>) target(%arg6 : memref<64xi32, #tpu.memory_space<vmem>>) target_semaphore(%run_scoped3A : memref<!tpu.dma_semaphore, #tpu.memory_space<semaphore_mem>>)
      %dma_wait3A_49 = tpu.memref_slice %arg4[%mul3A_2] : memref<2048xi32, #tpu.memory_space<hbm>> -> memref<64xi32, #tpu.memory_space<hbm>>
      %dma_wait3A_50 = tpu.memref_slice %arg4[%mul3A_2] : memref<2048xi32, #tpu.memory_space<hbm>> -> memref<64xi32, #tpu.memory_space<hbm>>
      tpu.wait_dma2 semaphore(%run_scoped3A : memref<!tpu.dma_semaphore, #tpu.memory_space<semaphore_mem>>) src(%dma_wait3A_50 : memref<64xi32, #tpu.memory_space<hbm>>) dst(%arg6 : memref<64xi32, #tpu.memory_space<vmem>>)
      tpu.yield
    }) : () -> ()
    %dma_wait3A = arith.constant 0 : i32
    %dma_wait3A_22 = arith.constant 0 : i32
    %dma_wait3A_23 = tpu.memref_slice %arg7[%dma_wait3A, %dma_wait3A_22] : memref<64x896xf32, #tpu.memory_space<vmem>> -> memref<64x768xf32, #tpu.memory_space<vmem>>
    %dma_wait3A_24 = arith.constant 0 : i32
    %dma_wait3A_25 = tpu.memref_slice %arg2[%mul3A_2, %dma_wait3A_24] : memref<2048x768xf32, #tpu.memory_space<hbm>> -> memref<64x768xf32, #tpu.memory_space<hbm>>
    %dma_wait3A_26 = arith.constant 0 : i32
    %dma_wait3A_27 = arith.constant 0 : i32
    %dma_wait3A_28 = tpu.memref_slice %arg7[%dma_wait3A_26, %dma_wait3A_27] : memref<64x896xf32, #tpu.memory_space<vmem>> -> memref<64x768xf32, #tpu.memory_space<vmem>>
    %dma_wait3A_29 = arith.constant 0 : i32
    %dma_wait3A_30 = tpu.memref_slice %arg2[%mul3A_2, %dma_wait3A_29] : memref<2048x768xf32, #tpu.memory_space<hbm>> -> memref<64x768xf32, #tpu.memory_space<hbm>>
    tpu.wait_dma2 semaphore(%arg8 : memref<!tpu.dma_semaphore, #tpu.memory_space<semaphore_mem>>) src(%dma_wait3A_30 : memref<64x768xf32, #tpu.memory_space<hbm>>) dst(%dma_wait3A_28 : memref<64x768xf32, #tpu.memory_space<vmem>>)
    %dma_wait3A_31 = arith.constant 0 : i32
    %dma_wait3A_32 = arith.constant 768 : i32
    %dma_wait3A_33 = tpu.memref_slice %arg7[%dma_wait3A_31, %dma_wait3A_32] : memref<64x896xf32, #tpu.memory_space<vmem>> -> memref<64x128xf32, #tpu.memory_space<vmem>>
    %dma_wait3A_34 = arith.constant 0 : i32
    %dma_wait3A_35 = tpu.memref_slice %arg3[%mul3A_2, %dma_wait3A_34] : memref<2048x128xf32, #tpu.memory_space<hbm>> -> memref<64x128xf32, #tpu.memory_space<hbm>>
    %dma_wait3A_36 = arith.constant 0 : i32
    %dma_wait3A_37 = arith.constant 768 : i32
    %dma_wait3A_38 = tpu.memref_slice %arg7[%dma_wait3A_36, %dma_wait3A_37] : memref<64x896xf32, #tpu.memory_space<vmem>> -> memref<64x128xf32, #tpu.memory_space<vmem>>
    %dma_wait3A_39 = arith.constant 0 : i32
    %dma_wait3A_40 = tpu.memref_slice %arg3[%mul3A_2, %dma_wait3A_39] : memref<2048x128xf32, #tpu.memory_space<hbm>> -> memref<64x128xf32, #tpu.memory_space<hbm>>
    tpu.wait_dma2 semaphore(%arg9 : memref<!tpu.dma_semaphore, #tpu.memory_space<semaphore_mem>>) src(%dma_wait3A_40 : memref<64x128xf32, #tpu.memory_space<hbm>>) dst(%dma_wait3A_38 : memref<64x128xf32, #tpu.memory_space<vmem>>)
    %dma_start3A_41 = arith.constant 0 : i32
    %dma_start3A_42 = arith.constant 0 : i32
    %dma_start3A_43 = tpu.memref_slice %arg5[%dma_start3A_41, %dma_start3A_42] : memref<2560x896xf32, #tpu.memory_space<hbm>> -> memref<2560x896xf32, #tpu.memory_space<hbm>>
    tpu.enqueue_indirect_dma source(%arg7 : memref<64x896xf32, #tpu.memory_space<vmem>>) target(%dma_start3A_43 : memref<2560x896xf32, #tpu.memory_space<hbm>>) offsets(%arg6 : memref<64xi32, #tpu.memory_space<vmem>>) semaphore(%arg8 : memref<!tpu.dma_semaphore, #tpu.memory_space<semaphore_mem>>)
    %dma_wait3A_44 = arith.constant 0 : i32
    %dma_wait3A_45 = arith.constant 0 : i32
    %dma_wait3A_46 = tpu.memref_slice %arg5[%dma_wait3A_44, %dma_wait3A_45] : memref<2560x896xf32, #tpu.memory_space<hbm>> -> memref<2560x896xf32, #tpu.memory_space<hbm>>
    tpu.wait_indirect_dma semaphore(%arg8 : memref<!tpu.dma_semaphore, #tpu.memory_space<semaphore_mem>>) src(%arg7 : memref<64x896xf32, #tpu.memory_space<vmem>>) dst(%dma_wait3A_46 : memref<2560x896xf32, #tpu.memory_space<hbm>>)
    return
  }
}

module attributes {stable_mosaic.version = 14 : i64} {
  func.func @_gemm_body(%arg0: i32, %arg1: i32, %arg2: memref<1x64xi32, #tpu.memory_space<smem>>, %arg3: memref<1x64xi32, #tpu.memory_space<smem>>, %arg4: memref<1x768x1536xf32, #tpu.memory_space<vmem>>, %arg5: memref<1x1536x768xf32, #tpu.memory_space<vmem>>, %arg6: memref<2560x896xf32, #tpu.memory_space<vmem>>, %arg7: memref<2560x768xf32, #tpu.memory_space<vmem>>) attributes {dimension_semantics = [#tpu.dimension_semantics<arbitrary>, #tpu.dimension_semantics<arbitrary>], iteration_bounds = array<i64: 64, 2>, scalar_prefetch = 0 : i64, scratch_operands = 0 : i64, tpu.core_type = #tpu.core_type<tc>, window_params = [{transform_indices = @transform_0, window_bounds = array<i64: 1, 64>}, {transform_indices = @transform_1, window_bounds = array<i64: 1, 64>}, {transform_indices = @transform_2, window_bounds = array<i64: 1, 768, 1536>}, {transform_indices = @transform_3, window_bounds = array<i64: 1, 1536, 768>}, {pipeline_mode = #tpu.pipeline_mode<synchronous>, transform_indices = @transform_4, window_bounds = array<i64: 2560, 896>}, {pipeline_mode = #tpu.pipeline_mode<synchronous>, transform_indices = @transform_5, window_bounds = array<i64: 2560, 768>}]} {
    %get3A = arith.constant 0 : index
    %get3A_0 = arith.index_cast %arg0 : i32 to index
    %get3A_1 = memref.load %arg3[%get3A, %get3A_0] : memref<1x64xi32, #tpu.memory_space<smem>>
    %get3A_2 = arith.constant 0 : index
    %get3A_3 = arith.index_cast %arg0 : i32 to index
    %get3A_4 = memref.load %arg2[%get3A_2, %get3A_3] : memref<1x64xi32, #tpu.memory_space<smem>>
    %add3A = arith.constant 63 : i32
    %add3A_5 = arith.addi %get3A_4, %add3A : i32
    %shift_right_arithmetic3A = arith.constant 6 : i32
    %shift_right_arithmetic3A_6 = arith.shrsi %add3A_5, %shift_right_arithmetic3A : i32
    %while3A = arith.constant 0 : i32
    %while3A_7 = arith.constant 0 : i32
    %while3A_8 = arith.subi %shift_right_arithmetic3A_6, %while3A : i32
    %while3A_9 = arith.addi %while3A, %while3A_8 : i32
    %while3A_10 = arith.constant 1 : i32
    %while3A_11 = arith.divsi %while3A_8, %while3A_10 : i32
    %while3A_12 = arith.muli %while3A_11, %while3A_10 : i32
    %while3A_13 = arith.addi %while3A, %while3A_12 : i32
    %while3A_14 = arith.constant 1 : i32
    %while3A_15 = scf.for %while3A_18 = %while3A to %while3A_13 step %while3A_14 iter_args(%while3A_19 = %while3A_7) -> (i32)  : i32 {
      %mul3A = arith.constant 64 : i32
      %mul3A_20 = arith.muli %while3A_18, %mul3A : i32
      %add3A_21 = arith.addi %get3A_1, %mul3A_20 : i32
      %multiple_of3A = tpu.assume_multiple %add3A_21, 8 : i32
      %get3A_22 = arith.index_cast %multiple_of3A : i32 to index
      %get3A_23 = arith.constant 0 : index
      %get3A_24 = vector.load %arg6[%get3A_22, %get3A_23] : memref<2560x896xf32, #tpu.memory_space<vmem>>, vector<64x896xf32>
      %slice3A = vector.extract_strided_slice %get3A_24 {offsets = [0, 0], sizes = [64, 768], strides = [1, 1]} : vector<64x896xf32> to vector<64x768xf32>
      %slice3A_25 = vector.extract_strided_slice %get3A_24 {offsets = [0, 768], sizes = [64, 1], strides = [1, 1]} : vector<64x896xf32> to vector<64x1xf32>
      %get3A_26 = arith.constant 0 : index
      %get3A_27 = arith.constant 0 : index
      %get3A_28 = arith.constant 0 : index
      %get3A_29 = vector.load %arg4[%get3A_26, %get3A_27, %get3A_28] : memref<1x768x1536xf32, #tpu.memory_space<vmem>>, vector<1x768x1536xf32>
      %get3A_30 = vector.shape_cast %get3A_29 : vector<1x768x1536xf32> to vector<768x1536xf32>
      %dot_general3A = arith.constant dense<0.000000e+00> : vector<64x1536xf32>
      %dot_general3A_31 = tpu.matmul %slice3A, %get3A_30, %dot_general3A {dimension_numbers = #tpu.dot_dimension_numbers<[1], [0], [0], [1], [0, 0, 1, 1], [], []>, transpose_lhs_hint = false} : vector<64x768xf32>, vector<768x1536xf32>, vector<64x1536xf32> -> vector<64x1536xf32>
      %mul3A_32 = arith.constant 5.000000e-01 : f32
      %mul3A_33 = vector.broadcast %mul3A_32 : f32 to vector<64x1536xf32>
      %mul3A_34 = arith.mulf %mul3A_33, %dot_general3A_31 : vector<64x1536xf32>
      %mul3A_35 = arith.constant 0.707106769 : f32
      %mul3A_36 = vector.broadcast %mul3A_35 : f32 to vector<64x1536xf32>
      %mul3A_37 = arith.mulf %dot_general3A_31, %mul3A_36 : vector<64x1536xf32>
      %abs3A = math.absf %mul3A_37 : vector<64x1536xf32>
      %mul3A_38 = arith.constant 0.327591091 : f32
      %mul3A_39 = vector.broadcast %mul3A_38 : f32 to vector<64x1536xf32>
      %mul3A_40 = arith.mulf %mul3A_39, %abs3A : vector<64x1536xf32>
      %add3A_41 = arith.constant 1.000000e+00 : f32
      %add3A_42 = vector.broadcast %add3A_41 : f32 to vector<64x1536xf32>
      %add3A_43 = arith.addf %add3A_42, %mul3A_40 : vector<64x1536xf32>
      %div3A = arith.constant 1.000000e+00 : f32
      %div3A_44 = vector.broadcast %div3A : f32 to vector<64x1536xf32>
      %div3A_45 = arith.divf %div3A_44, %add3A_43 : vector<64x1536xf32>
      %mul3A_46 = arith.constant 1.06140542 : f32
      %mul3A_47 = vector.broadcast %mul3A_46 : f32 to vector<64x1536xf32>
      %mul3A_48 = arith.mulf %div3A_45, %mul3A_47 : vector<64x1536xf32>
      %add3A_49 = arith.constant -1.45315206 : f32
      %add3A_50 = vector.broadcast %add3A_49 : f32 to vector<64x1536xf32>
      %add3A_51 = arith.addf %add3A_50, %mul3A_48 : vector<64x1536xf32>
      %mul3A_52 = arith.mulf %div3A_45, %add3A_51 : vector<64x1536xf32>
      %add3A_53 = arith.constant 1.42141378 : f32
      %add3A_54 = vector.broadcast %add3A_53 : f32 to vector<64x1536xf32>
      %add3A_55 = arith.addf %add3A_54, %mul3A_52 : vector<64x1536xf32>
      %mul3A_56 = arith.mulf %div3A_45, %add3A_55 : vector<64x1536xf32>
      %add3A_57 = arith.constant -0.284496725 : f32
      %add3A_58 = vector.broadcast %add3A_57 : f32 to vector<64x1536xf32>
      %add3A_59 = arith.addf %add3A_58, %mul3A_56 : vector<64x1536xf32>
      %mul3A_60 = arith.mulf %div3A_45, %add3A_59 : vector<64x1536xf32>
      %add3A_61 = arith.constant 0.254829586 : f32
      %add3A_62 = vector.broadcast %add3A_61 : f32 to vector<64x1536xf32>
      %add3A_63 = arith.addf %add3A_62, %mul3A_60 : vector<64x1536xf32>
      %mul3A_64 = arith.mulf %div3A_45, %add3A_63 : vector<64x1536xf32>
      %neg3A = arith.constant 0.000000e+00 : f32
      %neg3A_65 = vector.broadcast %neg3A : f32 to vector<64x1536xf32>
      %neg3A_66 = arith.subf %neg3A_65, %abs3A : vector<64x1536xf32>
      %mul3A_67 = arith.mulf %neg3A_66, %abs3A : vector<64x1536xf32>
      %exp3A = math.exp %mul3A_67 : vector<64x1536xf32>
      %mul3A_68 = arith.mulf %mul3A_64, %exp3A : vector<64x1536xf32>
      %sub3A = arith.constant 1.000000e+00 : f32
      %sub3A_69 = vector.broadcast %sub3A : f32 to vector<64x1536xf32>
      %sub3A_70 = arith.subf %sub3A_69, %mul3A_68 : vector<64x1536xf32>
      %lt3A = arith.constant 0.000000e+00 : f32
      %lt3A_71 = vector.broadcast %lt3A : f32 to vector<64x1536xf32>
      %lt3A_72 = arith.cmpf olt, %mul3A_37, %lt3A_71 : vector<64x1536xf32>
      %neg3A_73 = arith.constant 0.000000e+00 : f32
      %neg3A_74 = vector.broadcast %neg3A_73 : f32 to vector<64x1536xf32>
      %neg3A_75 = arith.subf %neg3A_74, %sub3A_70 : vector<64x1536xf32>
      %select_n3A = arith.select %lt3A_72, %neg3A_75, %sub3A_70 : vector<64x1536xi1>, vector<64x1536xf32>
      %add3A_76 = arith.constant 1.000000e+00 : f32
      %add3A_77 = vector.broadcast %add3A_76 : f32 to vector<64x1536xf32>
      %add3A_78 = arith.addf %add3A_77, %select_n3A : vector<64x1536xf32>
      %mul3A_79 = arith.mulf %mul3A_34, %add3A_78 : vector<64x1536xf32>
      %get3A_80 = arith.constant 0 : index
      %get3A_81 = arith.constant 0 : index
      %get3A_82 = arith.constant 0 : index
      %get3A_83 = vector.load %arg5[%get3A_80, %get3A_81, %get3A_82] : memref<1x1536x768xf32, #tpu.memory_space<vmem>>, vector<1x1536x768xf32>
      %get3A_84 = vector.shape_cast %get3A_83 : vector<1x1536x768xf32> to vector<1536x768xf32>
      %dot_general3A_85 = arith.constant dense<0.000000e+00> : vector<64x768xf32>
      %dot_general3A_86 = tpu.matmul %mul3A_79, %get3A_84, %dot_general3A_85 {dimension_numbers = #tpu.dot_dimension_numbers<[1], [0], [0], [1], [0, 0, 1, 1], [], []>, transpose_lhs_hint = false} : vector<64x1536xf32>, vector<1536x768xf32>, vector<64x768xf32> -> vector<64x768xf32>
      %mul3A_87 = vector.broadcast %slice3A_25 : vector<64x1xf32> to vector<64x768xf32>
      %mul3A_88 = arith.mulf %dot_general3A_86, %mul3A_87 : vector<64x768xf32>
      %eq3A = arith.constant 0 : i32
      %eq3A_89 = arith.cmpi eq, %arg1, %eq3A : i32
      %convert_element_type3A = arith.extui %eq3A_89 : i1 to i32
      %cond3A = arith.constant 0 : i32
      %cond3A_90 = arith.cmpi ne, %convert_element_type3A, %cond3A : i32
      scf.if %cond3A_90 {
        %swap3A = arith.index_cast %multiple_of3A : i32 to index
        %swap3A_97 = arith.constant 0 : index
        %swap3A_98 = vector.load %arg7[%swap3A, %swap3A_97] : memref<2560x768xf32, #tpu.memory_space<vmem>>, vector<64x768xf32>
        tpu.vector_store %arg7[%swap3A, %swap3A_97], %mul3A_88 {strides = array<i32>} : memref<2560x768xf32, #tpu.memory_space<vmem>>, vector<64x768xf32>,
      } else {
      }
      %eq3A_91 = arith.constant 1 : i32
      %eq3A_92 = arith.cmpi eq, %arg1, %eq3A_91 : i32
      %convert_element_type3A_93 = arith.extui %eq3A_92 : i1 to i32
      %cond3A_94 = arith.constant 0 : i32
      %cond3A_95 = arith.cmpi ne, %convert_element_type3A_93, %cond3A_94 : i32
      scf.if %cond3A_95 {
        %get3A_97 = arith.index_cast %multiple_of3A : i32 to index
        %get3A_98 = arith.constant 0 : index
        %get3A_99 = vector.load %arg7[%get3A_97, %get3A_98] : memref<2560x768xf32, #tpu.memory_space<vmem>>, vector<64x768xf32>
        %add3A_100 = arith.addf %get3A_99, %mul3A_88 : vector<64x768xf32>
        %swap3A = arith.index_cast %multiple_of3A : i32 to index
        %swap3A_101 = arith.constant 0 : index
        %swap3A_102 = vector.load %arg7[%swap3A, %swap3A_101] : memref<2560x768xf32, #tpu.memory_space<vmem>>, vector<64x768xf32>
        tpu.vector_store %arg7[%swap3A, %swap3A_101], %add3A_100 {strides = array<i32>} : memref<2560x768xf32, #tpu.memory_space<vmem>>, vector<64x768xf32>,
      } else {
      }
      %while3A_96 = arith.constant 0 : i32
      scf.yield %while3A_96 : i32
    }
    %while3A_16 = arith.constant 1 : i32
    %while3A_17 = scf.for %while3A_18 = %while3A_13 to %while3A_9 step %while3A_16 iter_args(%while3A_19 = %while3A_15) -> (i32)  : i32 {
      %mul3A = arith.constant 64 : i32
      %mul3A_20 = arith.muli %while3A_18, %mul3A : i32
      %add3A_21 = arith.addi %get3A_1, %mul3A_20 : i32
      %multiple_of3A = tpu.assume_multiple %add3A_21, 8 : i32
      %get3A_22 = arith.index_cast %multiple_of3A : i32 to index
      %get3A_23 = arith.constant 0 : index
      %get3A_24 = vector.load %arg6[%get3A_22, %get3A_23] : memref<2560x896xf32, #tpu.memory_space<vmem>>, vector<64x896xf32>
      %slice3A = vector.extract_strided_slice %get3A_24 {offsets = [0, 0], sizes = [64, 768], strides = [1, 1]} : vector<64x896xf32> to vector<64x768xf32>
      %slice3A_25 = vector.extract_strided_slice %get3A_24 {offsets = [0, 768], sizes = [64, 1], strides = [1, 1]} : vector<64x896xf32> to vector<64x1xf32>
      %get3A_26 = arith.constant 0 : index
      %get3A_27 = arith.constant 0 : index
      %get3A_28 = arith.constant 0 : index
      %get3A_29 = vector.load %arg4[%get3A_26, %get3A_27, %get3A_28] : memref<1x768x1536xf32, #tpu.memory_space<vmem>>, vector<1x768x1536xf32>
      %get3A_30 = vector.shape_cast %get3A_29 : vector<1x768x1536xf32> to vector<768x1536xf32>
      %dot_general3A = arith.constant dense<0.000000e+00> : vector<64x1536xf32>
      %dot_general3A_31 = tpu.matmul %slice3A, %get3A_30, %dot_general3A {dimension_numbers = #tpu.dot_dimension_numbers<[1], [0], [0], [1], [0, 0, 1, 1], [], []>, transpose_lhs_hint = false} : vector<64x768xf32>, vector<768x1536xf32>, vector<64x1536xf32> -> vector<64x1536xf32>
      %mul3A_32 = arith.constant 5.000000e-01 : f32
      %mul3A_33 = vector.broadcast %mul3A_32 : f32 to vector<64x1536xf32>
      %mul3A_34 = arith.mulf %mul3A_33, %dot_general3A_31 : vector<64x1536xf32>
      %mul3A_35 = arith.constant 0.707106769 : f32
      %mul3A_36 = vector.broadcast %mul3A_35 : f32 to vector<64x1536xf32>
      %mul3A_37 = arith.mulf %dot_general3A_31, %mul3A_36 : vector<64x1536xf32>
      %abs3A = math.absf %mul3A_37 : vector<64x1536xf32>
      %mul3A_38 = arith.constant 0.327591091 : f32
      %mul3A_39 = vector.broadcast %mul3A_38 : f32 to vector<64x1536xf32>
      %mul3A_40 = arith.mulf %mul3A_39, %abs3A : vector<64x1536xf32>
      %add3A_41 = arith.constant 1.000000e+00 : f32
      %add3A_42 = vector.broadcast %add3A_41 : f32 to vector<64x1536xf32>
      %add3A_43 = arith.addf %add3A_42, %mul3A_40 : vector<64x1536xf32>
      %div3A = arith.constant 1.000000e+00 : f32
      %div3A_44 = vector.broadcast %div3A : f32 to vector<64x1536xf32>
      %div3A_45 = arith.divf %div3A_44, %add3A_43 : vector<64x1536xf32>
      %mul3A_46 = arith.constant 1.06140542 : f32
      %mul3A_47 = vector.broadcast %mul3A_46 : f32 to vector<64x1536xf32>
      %mul3A_48 = arith.mulf %div3A_45, %mul3A_47 : vector<64x1536xf32>
      %add3A_49 = arith.constant -1.45315206 : f32
      %add3A_50 = vector.broadcast %add3A_49 : f32 to vector<64x1536xf32>
      %add3A_51 = arith.addf %add3A_50, %mul3A_48 : vector<64x1536xf32>
      %mul3A_52 = arith.mulf %div3A_45, %add3A_51 : vector<64x1536xf32>
      %add3A_53 = arith.constant 1.42141378 : f32
      %add3A_54 = vector.broadcast %add3A_53 : f32 to vector<64x1536xf32>
      %add3A_55 = arith.addf %add3A_54, %mul3A_52 : vector<64x1536xf32>
      %mul3A_56 = arith.mulf %div3A_45, %add3A_55 : vector<64x1536xf32>
      %add3A_57 = arith.constant -0.284496725 : f32
      %add3A_58 = vector.broadcast %add3A_57 : f32 to vector<64x1536xf32>
      %add3A_59 = arith.addf %add3A_58, %mul3A_56 : vector<64x1536xf32>
      %mul3A_60 = arith.mulf %div3A_45, %add3A_59 : vector<64x1536xf32>
      %add3A_61 = arith.constant 0.254829586 : f32
      %add3A_62 = vector.broadcast %add3A_61 : f32 to vector<64x1536xf32>
      %add3A_63 = arith.addf %add3A_62, %mul3A_60 : vector<64x1536xf32>
      %mul3A_64 = arith.mulf %div3A_45, %add3A_63 : vector<64x1536xf32>
      %neg3A = arith.constant 0.000000e+00 : f32
      %neg3A_65 = vector.broadcast %neg3A : f32 to vector<64x1536xf32>
      %neg3A_66 = arith.subf %neg3A_65, %abs3A : vector<64x1536xf32>
      %mul3A_67 = arith.mulf %neg3A_66, %abs3A : vector<64x1536xf32>
      %exp3A = math.exp %mul3A_67 : vector<64x1536xf32>
      %mul3A_68 = arith.mulf %mul3A_64, %exp3A : vector<64x1536xf32>
      %sub3A = arith.constant 1.000000e+00 : f32
      %sub3A_69 = vector.broadcast %sub3A : f32 to vector<64x1536xf32>
      %sub3A_70 = arith.subf %sub3A_69, %mul3A_68 : vector<64x1536xf32>
      %lt3A = arith.constant 0.000000e+00 : f32
      %lt3A_71 = vector.broadcast %lt3A : f32 to vector<64x1536xf32>
      %lt3A_72 = arith.cmpf olt, %mul3A_37, %lt3A_71 : vector<64x1536xf32>
      %neg3A_73 = arith.constant 0.000000e+00 : f32
      %neg3A_74 = vector.broadcast %neg3A_73 : f32 to vector<64x1536xf32>
      %neg3A_75 = arith.subf %neg3A_74, %sub3A_70 : vector<64x1536xf32>
      %select_n3A = arith.select %lt3A_72, %neg3A_75, %sub3A_70 : vector<64x1536xi1>, vector<64x1536xf32>
      %add3A_76 = arith.constant 1.000000e+00 : f32
      %add3A_77 = vector.broadcast %add3A_76 : f32 to vector<64x1536xf32>
      %add3A_78 = arith.addf %add3A_77, %select_n3A : vector<64x1536xf32>
      %mul3A_79 = arith.mulf %mul3A_34, %add3A_78 : vector<64x1536xf32>
      %get3A_80 = arith.constant 0 : index
      %get3A_81 = arith.constant 0 : index
      %get3A_82 = arith.constant 0 : index
      %get3A_83 = vector.load %arg5[%get3A_80, %get3A_81, %get3A_82] : memref<1x1536x768xf32, #tpu.memory_space<vmem>>, vector<1x1536x768xf32>
      %get3A_84 = vector.shape_cast %get3A_83 : vector<1x1536x768xf32> to vector<1536x768xf32>
      %dot_general3A_85 = arith.constant dense<0.000000e+00> : vector<64x768xf32>
      %dot_general3A_86 = tpu.matmul %mul3A_79, %get3A_84, %dot_general3A_85 {dimension_numbers = #tpu.dot_dimension_numbers<[1], [0], [0], [1], [0, 0, 1, 1], [], []>, transpose_lhs_hint = false} : vector<64x1536xf32>, vector<1536x768xf32>, vector<64x768xf32> -> vector<64x768xf32>
      %mul3A_87 = vector.broadcast %slice3A_25 : vector<64x1xf32> to vector<64x768xf32>
      %mul3A_88 = arith.mulf %dot_general3A_86, %mul3A_87 : vector<64x768xf32>
      %eq3A = arith.constant 0 : i32
      %eq3A_89 = arith.cmpi eq, %arg1, %eq3A : i32
      %convert_element_type3A = arith.extui %eq3A_89 : i1 to i32
      %cond3A = arith.constant 0 : i32
      %cond3A_90 = arith.cmpi ne, %convert_element_type3A, %cond3A : i32
      scf.if %cond3A_90 {
        %swap3A = arith.index_cast %multiple_of3A : i32 to index
        %swap3A_97 = arith.constant 0 : index
        %swap3A_98 = vector.load %arg7[%swap3A, %swap3A_97] : memref<2560x768xf32, #tpu.memory_space<vmem>>, vector<64x768xf32>
        tpu.vector_store %arg7[%swap3A, %swap3A_97], %mul3A_88 {strides = array<i32>} : memref<2560x768xf32, #tpu.memory_space<vmem>>, vector<64x768xf32>,
      } else {
      }
      %eq3A_91 = arith.constant 1 : i32
      %eq3A_92 = arith.cmpi eq, %arg1, %eq3A_91 : i32
      %convert_element_type3A_93 = arith.extui %eq3A_92 : i1 to i32
      %cond3A_94 = arith.constant 0 : i32
      %cond3A_95 = arith.cmpi ne, %convert_element_type3A_93, %cond3A_94 : i32
      scf.if %cond3A_95 {
        %get3A_97 = arith.index_cast %multiple_of3A : i32 to index
        %get3A_98 = arith.constant 0 : index
        %get3A_99 = vector.load %arg7[%get3A_97, %get3A_98] : memref<2560x768xf32, #tpu.memory_space<vmem>>, vector<64x768xf32>
        %add3A_100 = arith.addf %get3A_99, %mul3A_88 : vector<64x768xf32>
        %swap3A = arith.index_cast %multiple_of3A : i32 to index
        %swap3A_101 = arith.constant 0 : index
        %swap3A_102 = vector.load %arg7[%swap3A, %swap3A_101] : memref<2560x768xf32, #tpu.memory_space<vmem>>, vector<64x768xf32>
        tpu.vector_store %arg7[%swap3A, %swap3A_101], %add3A_100 {strides = array<i32>} : memref<2560x768xf32, #tpu.memory_space<vmem>>, vector<64x768xf32>,
      } else {
      }
      %while3A_96 = arith.constant 0 : i32
      scf.yield %while3A_96 : i32
    }
    return
  }
  func.func @transform_0(%arg0: i32, %arg1: i32) -> (i32, i32) {
    %c0_i32 = arith.constant 0 : i32
    %c0_i32_0 = arith.constant 0 : i32
    %c0_i32_1 = arith.constant 0 : i32
    return %c0_i32, %c0_i32_0 : i32, i32
  }
  func.func @transform_1(%arg0: i32, %arg1: i32) -> (i32, i32) {
    %c0_i32 = arith.constant 0 : i32
    %c0_i32_0 = arith.constant 0 : i32
    %c0_i32_1 = arith.constant 0 : i32
    return %c0_i32, %c0_i32_0 : i32, i32
  }
  func.func @transform_2(%arg0: i32, %arg1: i32) -> (i32, i32, i32) {
    %c0_i32 = arith.constant 0 : i32
    %c0_i32_0 = arith.constant 0 : i32
    return %arg0, %c0_i32, %arg1 : i32, i32, i32
  }
  func.func @transform_3(%arg0: i32, %arg1: i32) -> (i32, i32, i32) {
    %c0_i32 = arith.constant 0 : i32
    %c0_i32_0 = arith.constant 0 : i32
    return %arg0, %arg1, %c0_i32 : i32, i32, i32
  }
  func.func @transform_4(%arg0: i32, %arg1: i32) -> (i32, i32) {
    %c0_i32 = arith.constant 0 : i32
    %c0_i32_0 = arith.constant 0 : i32
    %c0_i32_1 = arith.constant 0 : i32
    return %c0_i32, %c0_i32_0 : i32, i32
  }
  func.func @transform_5(%arg0: i32, %arg1: i32) -> (i32, i32) {
    %c0_i32 = arith.constant 0 : i32
    %c0_i32_0 = arith.constant 0 : i32
    %c0_i32_1 = arith.constant 0 : i32
    return %c0_i32, %c0_i32_0 : i32, i32
  }
}

module attributes {stable_mosaic.version = 14 : i64} {
  func.func @_gate_body(%arg0: memref<2048x768xf32, #tpu.memory_space<vmem>>, %arg1: memref<64x768xf32, #tpu.memory_space<vmem>>, %arg2: memref<2048x64xf32, #tpu.memory_space<vmem>>, %arg3: memref<2048x1xi32, #tpu.memory_space<vmem>>, %arg4: memref<2048x128xf32, #tpu.memory_space<vmem>>, %arg5: memref<1x64xi32, #tpu.memory_space<vmem>>, %arg6: memref<1x64xi32, #tpu.memory_space<vmem>>) attributes {dimension_semantics = [], scalar_prefetch = 0 : i64, scratch_operands = 0 : i64, tpu.core_type = #tpu.core_type<tc>} {
    %get3A = arith.constant 0 : index
    %get3A_0 = arith.constant 0 : index
    %get3A_1 = vector.load %arg0[%get3A, %get3A_0] : memref<2048x768xf32, #tpu.memory_space<vmem>>, vector<2048x768xf32>
    %get3A_2 = arith.constant 0 : index
    %get3A_3 = arith.constant 0 : index
    %get3A_4 = vector.load %arg1[%get3A_2, %get3A_3] : memref<64x768xf32, #tpu.memory_space<vmem>>, vector<64x768xf32>
    %dot_general3A = arith.constant dense<0.000000e+00> : vector<2048x64xf32>
    %dot_general3A_5 = tpu.matmul %get3A_1, %get3A_4, %dot_general3A {dimension_numbers = #tpu.dot_dimension_numbers<[1], [1], [0], [0], [0, 0, 1, 0], [], []>, transpose_lhs_hint = false} : vector<2048x768xf32>, vector<64x768xf32>, vector<2048x64xf32> -> vector<2048x64xf32>
    %swap3A = arith.constant 0 : index
    %swap3A_6 = arith.constant 0 : index
    %swap3A_7 = vector.load %arg2[%swap3A, %swap3A_6] : memref<2048x64xf32, #tpu.memory_space<vmem>>, vector<2048x64xf32>
    tpu.vector_store %arg2[%swap3A, %swap3A_6], %dot_general3A_5 {strides = array<i32>} : memref<2048x64xf32, #tpu.memory_space<vmem>>, vector<2048x64xf32>,
    %reduce_max3A = arith.constant dense<0xFF800000> : vector<2048xf32>
    %reduce_max3A_8 = vector.multi_reduction <maximumf>, %dot_general3A_5, %reduce_max3A [1] : vector<2048x64xf32> to vector<2048xf32>
    %broadcast_in_dim3A = vector.shape_cast %reduce_max3A_8 : vector<2048xf32> to vector<2048x1xf32>
    %sub3A = vector.broadcast %broadcast_in_dim3A : vector<2048x1xf32> to vector<2048x64xf32>
    %sub3A_9 = arith.subf %dot_general3A_5, %sub3A : vector<2048x64xf32>
    %exp3A = math.exp %sub3A_9 : vector<2048x64xf32>
    %reduce_sum3A = arith.constant dense<0.000000e+00> : vector<2048xf32>
    %reduce_sum3A_10 = vector.multi_reduction <add>, %exp3A, %reduce_sum3A [1] : vector<2048x64xf32> to vector<2048xf32>
    %broadcast_in_dim3A_11 = vector.shape_cast %reduce_sum3A_10 : vector<2048xf32> to vector<2048x1xf32>
    %div3A = arith.constant 1.000000e+00 : f32
    %div3A_12 = vector.broadcast %div3A : f32 to vector<2048x1xf32>
    %div3A_13 = arith.divf %div3A_12, %broadcast_in_dim3A_11 : vector<2048x1xf32>
    %iota3A = tpu.iota {dimensions = array<i32: 1>} : vector<2048x64xi32>
    %eq3A = vector.broadcast %broadcast_in_dim3A : vector<2048x1xf32> to vector<2048x64xf32>
    %eq3A_14 = arith.cmpf oeq, %dot_general3A_5, %eq3A : vector<2048x64xf32>
    %jit3A = arith.constant 64 : i32
    %broadcast_in_dim3A_15 = vector.broadcast %jit3A : i32 to vector<2048x64xi32>
    %select_n3A = arith.select %eq3A_14, %iota3A, %broadcast_in_dim3A_15 : vector<2048x64xi1>, vector<2048x64xi32>
    %reduce_min3A = arith.constant dense<2147483647> : vector<2048xi32>
    %reduce_min3A_16 = vector.multi_reduction <minsi>, %select_n3A, %reduce_min3A [1] : vector<2048x64xi32> to vector<2048xi32>
    %broadcast_in_dim3A_17 = vector.shape_cast %reduce_min3A_16 : vector<2048xi32> to vector<2048x1xi32>
    %eq3A_18 = vector.broadcast %broadcast_in_dim3A_17 : vector<2048x1xi32> to vector<2048x64xi32>
    %eq3A_19 = arith.cmpi eq, %iota3A, %eq3A_18 : vector<2048x64xi32>
    %convert_element_type3A = arith.extui %eq3A_19 : vector<2048x64xi1> to vector<2048x64xi32>
    %convert_element_type3A_20 = arith.sitofp %convert_element_type3A : vector<2048x64xi32> to vector<2048x64xf32>
    %reduce_sum3A_21 = arith.constant dense<0.000000e+00> : vector<64xf32>
    %reduce_sum3A_22 = vector.multi_reduction <add>, %convert_element_type3A_20, %reduce_sum3A_21 [0] : vector<2048x64xf32> to vector<64xf32>
    %broadcast_in_dim3A_23 = vector.shape_cast %reduce_sum3A_22 : vector<64xf32> to vector<1x64xf32>
    %iota3A_24 = tpu.iota {dimensions = array<i32: 0>} : vector<128x128xi32>
    %iota3A_25 = tpu.iota {dimensions = array<i32: 1>} : vector<128x128xi32>
    %lt3A = arith.cmpi slt, %iota3A_25, %iota3A_24 : vector<128x128xi32>
    %convert_element_type3A_26 = arith.extui %lt3A : vector<128x128xi1> to vector<128x128xi32>
    %convert_element_type3A_27 = arith.sitofp %convert_element_type3A_26 : vector<128x128xi32> to vector<128x128xf32>
    %broadcast_in_dim3A_28 = arith.constant 0.000000e+00 : f32
    %broadcast_in_dim3A_29 = vector.broadcast %broadcast_in_dim3A_28 : f32 to vector<1x64xf32>
    %slice3A = vector.extract_strided_slice %convert_element_type3A_20 {offsets = [0, 0], sizes = [128, 64], strides = [1, 1]} : vector<2048x64xf32> to vector<128x64xf32>
    %dot_general3A_30 = arith.constant dense<0.000000e+00> : vector<128x64xf32>
    %dot_general3A_31 = tpu.matmul %convert_element_type3A_27, %slice3A, %dot_general3A_30 {dimension_numbers = #tpu.dot_dimension_numbers<[1], [0], [0], [1], [0, 0, 1, 1], [], []>, transpose_lhs_hint = false} : vector<128x128xf32>, vector<128x64xf32>, vector<128x64xf32> -> vector<128x64xf32>
    %add3A = vector.broadcast %broadcast_in_dim3A_29 : vector<1x64xf32> to vector<128x64xf32>
    %add3A_32 = arith.addf %dot_general3A_31, %add3A : vector<128x64xf32>
    %reduce_sum3A_33 = arith.constant dense<0.000000e+00> : vector<64xf32>
    %reduce_sum3A_34 = vector.multi_reduction <add>, %slice3A, %reduce_sum3A_33 [0] : vector<128x64xf32> to vector<64xf32>
    %broadcast_in_dim3A_35 = vector.shape_cast %reduce_sum3A_34 : vector<64xf32> to vector<1x64xf32>
    %add3A_36 = arith.addf %broadcast_in_dim3A_29, %broadcast_in_dim3A_35 : vector<1x64xf32>
    %slice3A_37 = vector.extract_strided_slice %convert_element_type3A_20 {offsets = [128, 0], sizes = [128, 64], strides = [1, 1]} : vector<2048x64xf32> to vector<128x64xf32>
    %dot_general3A_38 = arith.constant dense<0.000000e+00> : vector<128x64xf32>
    %dot_general3A_39 = tpu.matmul %convert_element_type3A_27, %slice3A_37, %dot_general3A_38 {dimension_numbers = #tpu.dot_dimension_numbers<[1], [0], [0], [1], [0, 0, 1, 1], [], []>, transpose_lhs_hint = false} : vector<128x128xf32>, vector<128x64xf32>, vector<128x64xf32> -> vector<128x64xf32>
    %add3A_40 = vector.broadcast %add3A_36 : vector<1x64xf32> to vector<128x64xf32>
    %add3A_41 = arith.addf %dot_general3A_39, %add3A_40 : vector<128x64xf32>
    %reduce_sum3A_42 = arith.constant dense<0.000000e+00> : vector<64xf32>
    %reduce_sum3A_43 = vector.multi_reduction <add>, %slice3A_37, %reduce_sum3A_42 [0] : vector<128x64xf32> to vector<64xf32>
    %broadcast_in_dim3A_44 = vector.shape_cast %reduce_sum3A_43 : vector<64xf32> to vector<1x64xf32>
    %add3A_45 = arith.addf %add3A_36, %broadcast_in_dim3A_44 : vector<1x64xf32>
    %slice3A_46 = vector.extract_strided_slice %convert_element_type3A_20 {offsets = [256, 0], sizes = [128, 64], strides = [1, 1]} : vector<2048x64xf32> to vector<128x64xf32>
    %dot_general3A_47 = arith.constant dense<0.000000e+00> : vector<128x64xf32>
    %dot_general3A_48 = tpu.matmul %convert_element_type3A_27, %slice3A_46, %dot_general3A_47 {dimension_numbers = #tpu.dot_dimension_numbers<[1], [0], [0], [1], [0, 0, 1, 1], [], []>, transpose_lhs_hint = false} : vector<128x128xf32>, vector<128x64xf32>, vector<128x64xf32> -> vector<128x64xf32>
    %add3A_49 = vector.broadcast %add3A_45 : vector<1x64xf32> to vector<128x64xf32>
    %add3A_50 = arith.addf %dot_general3A_48, %add3A_49 : vector<128x64xf32>
    %reduce_sum3A_51 = arith.constant dense<0.000000e+00> : vector<64xf32>
    %reduce_sum3A_52 = vector.multi_reduction <add>, %slice3A_46, %reduce_sum3A_51 [0] : vector<128x64xf32> to vector<64xf32>
    %broadcast_in_dim3A_53 = vector.shape_cast %reduce_sum3A_52 : vector<64xf32> to vector<1x64xf32>
    %add3A_54 = arith.addf %add3A_45, %broadcast_in_dim3A_53 : vector<1x64xf32>
    %slice3A_55 = vector.extract_strided_slice %convert_element_type3A_20 {offsets = [384, 0], sizes = [128, 64], strides = [1, 1]} : vector<2048x64xf32> to vector<128x64xf32>
    %dot_general3A_56 = arith.constant dense<0.000000e+00> : vector<128x64xf32>
    %dot_general3A_57 = tpu.matmul %convert_element_type3A_27, %slice3A_55, %dot_general3A_56 {dimension_numbers = #tpu.dot_dimension_numbers<[1], [0], [0], [1], [0, 0, 1, 1], [], []>, transpose_lhs_hint = false} : vector<128x128xf32>, vector<128x64xf32>, vector<128x64xf32> -> vector<128x64xf32>
    %add3A_58 = vector.broadcast %add3A_54 : vector<1x64xf32> to vector<128x64xf32>
    %add3A_59 = arith.addf %dot_general3A_57, %add3A_58 : vector<128x64xf32>
    %reduce_sum3A_60 = arith.constant dense<0.000000e+00> : vector<64xf32>
    %reduce_sum3A_61 = vector.multi_reduction <add>, %slice3A_55, %reduce_sum3A_60 [0] : vector<128x64xf32> to vector<64xf32>
    %broadcast_in_dim3A_62 = vector.shape_cast %reduce_sum3A_61 : vector<64xf32> to vector<1x64xf32>
    %add3A_63 = arith.addf %add3A_54, %broadcast_in_dim3A_62 : vector<1x64xf32>
    %slice3A_64 = vector.extract_strided_slice %convert_element_type3A_20 {offsets = [512, 0], sizes = [128, 64], strides = [1, 1]} : vector<2048x64xf32> to vector<128x64xf32>
    %dot_general3A_65 = arith.constant dense<0.000000e+00> : vector<128x64xf32>
    %dot_general3A_66 = tpu.matmul %convert_element_type3A_27, %slice3A_64, %dot_general3A_65 {dimension_numbers = #tpu.dot_dimension_numbers<[1], [0], [0], [1], [0, 0, 1, 1], [], []>, transpose_lhs_hint = false} : vector<128x128xf32>, vector<128x64xf32>, vector<128x64xf32> -> vector<128x64xf32>
    %add3A_67 = vector.broadcast %add3A_63 : vector<1x64xf32> to vector<128x64xf32>
    %add3A_68 = arith.addf %dot_general3A_66, %add3A_67 : vector<128x64xf32>
    %reduce_sum3A_69 = arith.constant dense<0.000000e+00> : vector<64xf32>
    %reduce_sum3A_70 = vector.multi_reduction <add>, %slice3A_64, %reduce_sum3A_69 [0] : vector<128x64xf32> to vector<64xf32>
    %broadcast_in_dim3A_71 = vector.shape_cast %reduce_sum3A_70 : vector<64xf32> to vector<1x64xf32>
    %add3A_72 = arith.addf %add3A_63, %broadcast_in_dim3A_71 : vector<1x64xf32>
    %slice3A_73 = vector.extract_strided_slice %convert_element_type3A_20 {offsets = [640, 0], sizes = [128, 64], strides = [1, 1]} : vector<2048x64xf32> to vector<128x64xf32>
    %dot_general3A_74 = arith.constant dense<0.000000e+00> : vector<128x64xf32>
    %dot_general3A_75 = tpu.matmul %convert_element_type3A_27, %slice3A_73, %dot_general3A_74 {dimension_numbers = #tpu.dot_dimension_numbers<[1], [0], [0], [1], [0, 0, 1, 1], [], []>, transpose_lhs_hint = false} : vector<128x128xf32>, vector<128x64xf32>, vector<128x64xf32> -> vector<128x64xf32>
    %add3A_76 = vector.broadcast %add3A_72 : vector<1x64xf32> to vector<128x64xf32>
    %add3A_77 = arith.addf %dot_general3A_75, %add3A_76 : vector<128x64xf32>
    %reduce_sum3A_78 = arith.constant dense<0.000000e+00> : vector<64xf32>
    %reduce_sum3A_79 = vector.multi_reduction <add>, %slice3A_73, %reduce_sum3A_78 [0] : vector<128x64xf32> to vector<64xf32>
    %broadcast_in_dim3A_80 = vector.shape_cast %reduce_sum3A_79 : vector<64xf32> to vector<1x64xf32>
    %add3A_81 = arith.addf %add3A_72, %broadcast_in_dim3A_80 : vector<1x64xf32>
    %slice3A_82 = vector.extract_strided_slice %convert_element_type3A_20 {offsets = [768, 0], sizes = [128, 64], strides = [1, 1]} : vector<2048x64xf32> to vector<128x64xf32>
    %dot_general3A_83 = arith.constant dense<0.000000e+00> : vector<128x64xf32>
    %dot_general3A_84 = tpu.matmul %convert_element_type3A_27, %slice3A_82, %dot_general3A_83 {dimension_numbers = #tpu.dot_dimension_numbers<[1], [0], [0], [1], [0, 0, 1, 1], [], []>, transpose_lhs_hint = false} : vector<128x128xf32>, vector<128x64xf32>, vector<128x64xf32> -> vector<128x64xf32>
    %add3A_85 = vector.broadcast %add3A_81 : vector<1x64xf32> to vector<128x64xf32>
    %add3A_86 = arith.addf %dot_general3A_84, %add3A_85 : vector<128x64xf32>
    %reduce_sum3A_87 = arith.constant dense<0.000000e+00> : vector<64xf32>
    %reduce_sum3A_88 = vector.multi_reduction <add>, %slice3A_82, %reduce_sum3A_87 [0] : vector<128x64xf32> to vector<64xf32>
    %broadcast_in_dim3A_89 = vector.shape_cast %reduce_sum3A_88 : vector<64xf32> to vector<1x64xf32>
    %add3A_90 = arith.addf %add3A_81, %broadcast_in_dim3A_89 : vector<1x64xf32>
    %slice3A_91 = vector.extract_strided_slice %convert_element_type3A_20 {offsets = [896, 0], sizes = [128, 64], strides = [1, 1]} : vector<2048x64xf32> to vector<128x64xf32>
    %dot_general3A_92 = arith.constant dense<0.000000e+00> : vector<128x64xf32>
    %dot_general3A_93 = tpu.matmul %convert_element_type3A_27, %slice3A_91, %dot_general3A_92 {dimension_numbers = #tpu.dot_dimension_numbers<[1], [0], [0], [1], [0, 0, 1, 1], [], []>, transpose_lhs_hint = false} : vector<128x128xf32>, vector<128x64xf32>, vector<128x64xf32> -> vector<128x64xf32>
    %add3A_94 = vector.broadcast %add3A_90 : vector<1x64xf32> to vector<128x64xf32>
    %add3A_95 = arith.addf %dot_general3A_93, %add3A_94 : vector<128x64xf32>
    %reduce_sum3A_96 = arith.constant dense<0.000000e+00> : vector<64xf32>
    %reduce_sum3A_97 = vector.multi_reduction <add>, %slice3A_91, %reduce_sum3A_96 [0] : vector<128x64xf32> to vector<64xf32>
    %broadcast_in_dim3A_98 = vector.shape_cast %reduce_sum3A_97 : vector<64xf32> to vector<1x64xf32>
    %add3A_99 = arith.addf %add3A_90, %broadcast_in_dim3A_98 : vector<1x64xf32>
    %slice3A_100 = vector.extract_strided_slice %convert_element_type3A_20 {offsets = [1024, 0], sizes = [128, 64], strides = [1, 1]} : vector<2048x64xf32> to vector<128x64xf32>
    %dot_general3A_101 = arith.constant dense<0.000000e+00> : vector<128x64xf32>
    %dot_general3A_102 = tpu.matmul %convert_element_type3A_27, %slice3A_100, %dot_general3A_101 {dimension_numbers = #tpu.dot_dimension_numbers<[1], [0], [0], [1], [0, 0, 1, 1], [], []>, transpose_lhs_hint = false} : vector<128x128xf32>, vector<128x64xf32>, vector<128x64xf32> -> vector<128x64xf32>
    %add3A_103 = vector.broadcast %add3A_99 : vector<1x64xf32> to vector<128x64xf32>
    %add3A_104 = arith.addf %dot_general3A_102, %add3A_103 : vector<128x64xf32>
    %reduce_sum3A_105 = arith.constant dense<0.000000e+00> : vector<64xf32>
    %reduce_sum3A_106 = vector.multi_reduction <add>, %slice3A_100, %reduce_sum3A_105 [0] : vector<128x64xf32> to vector<64xf32>
    %broadcast_in_dim3A_107 = vector.shape_cast %reduce_sum3A_106 : vector<64xf32> to vector<1x64xf32>
    %add3A_108 = arith.addf %add3A_99, %broadcast_in_dim3A_107 : vector<1x64xf32>
    %slice3A_109 = vector.extract_strided_slice %convert_element_type3A_20 {offsets = [1152, 0], sizes = [128, 64], strides = [1, 1]} : vector<2048x64xf32> to vector<128x64xf32>
    %dot_general3A_110 = arith.constant dense<0.000000e+00> : vector<128x64xf32>
    %dot_general3A_111 = tpu.matmul %convert_element_type3A_27, %slice3A_109, %dot_general3A_110 {dimension_numbers = #tpu.dot_dimension_numbers<[1], [0], [0], [1], [0, 0, 1, 1], [], []>, transpose_lhs_hint = false} : vector<128x128xf32>, vector<128x64xf32>, vector<128x64xf32> -> vector<128x64xf32>
    %add3A_112 = vector.broadcast %add3A_108 : vector<1x64xf32> to vector<128x64xf32>
    %add3A_113 = arith.addf %dot_general3A_111, %add3A_112 : vector<128x64xf32>
    %reduce_sum3A_114 = arith.constant dense<0.000000e+00> : vector<64xf32>
    %reduce_sum3A_115 = vector.multi_reduction <add>, %slice3A_109, %reduce_sum3A_114 [0] : vector<128x64xf32> to vector<64xf32>
    %broadcast_in_dim3A_116 = vector.shape_cast %reduce_sum3A_115 : vector<64xf32> to vector<1x64xf32>
    %add3A_117 = arith.addf %add3A_108, %broadcast_in_dim3A_116 : vector<1x64xf32>
    %slice3A_118 = vector.extract_strided_slice %convert_element_type3A_20 {offsets = [1280, 0], sizes = [128, 64], strides = [1, 1]} : vector<2048x64xf32> to vector<128x64xf32>
    %dot_general3A_119 = arith.constant dense<0.000000e+00> : vector<128x64xf32>
    %dot_general3A_120 = tpu.matmul %convert_element_type3A_27, %slice3A_118, %dot_general3A_119 {dimension_numbers = #tpu.dot_dimension_numbers<[1], [0], [0], [1], [0, 0, 1, 1], [], []>, transpose_lhs_hint = false} : vector<128x128xf32>, vector<128x64xf32>, vector<128x64xf32> -> vector<128x64xf32>
    %add3A_121 = vector.broadcast %add3A_117 : vector<1x64xf32> to vector<128x64xf32>
    %add3A_122 = arith.addf %dot_general3A_120, %add3A_121 : vector<128x64xf32>
    %reduce_sum3A_123 = arith.constant dense<0.000000e+00> : vector<64xf32>
    %reduce_sum3A_124 = vector.multi_reduction <add>, %slice3A_118, %reduce_sum3A_123 [0] : vector<128x64xf32> to vector<64xf32>
    %broadcast_in_dim3A_125 = vector.shape_cast %reduce_sum3A_124 : vector<64xf32> to vector<1x64xf32>
    %add3A_126 = arith.addf %add3A_117, %broadcast_in_dim3A_125 : vector<1x64xf32>
    %slice3A_127 = vector.extract_strided_slice %convert_element_type3A_20 {offsets = [1408, 0], sizes = [128, 64], strides = [1, 1]} : vector<2048x64xf32> to vector<128x64xf32>
    %dot_general3A_128 = arith.constant dense<0.000000e+00> : vector<128x64xf32>
    %dot_general3A_129 = tpu.matmul %convert_element_type3A_27, %slice3A_127, %dot_general3A_128 {dimension_numbers = #tpu.dot_dimension_numbers<[1], [0], [0], [1], [0, 0, 1, 1], [], []>, transpose_lhs_hint = false} : vector<128x128xf32>, vector<128x64xf32>, vector<128x64xf32> -> vector<128x64xf32>
    %add3A_130 = vector.broadcast %add3A_126 : vector<1x64xf32> to vector<128x64xf32>
    %add3A_131 = arith.addf %dot_general3A_129, %add3A_130 : vector<128x64xf32>
    %reduce_sum3A_132 = arith.constant dense<0.000000e+00> : vector<64xf32>
    %reduce_sum3A_133 = vector.multi_reduction <add>, %slice3A_127, %reduce_sum3A_132 [0] : vector<128x64xf32> to vector<64xf32>
    %broadcast_in_dim3A_134 = vector.shape_cast %reduce_sum3A_133 : vector<64xf32> to vector<1x64xf32>
    %add3A_135 = arith.addf %add3A_126, %broadcast_in_dim3A_134 : vector<1x64xf32>
    %slice3A_136 = vector.extract_strided_slice %convert_element_type3A_20 {offsets = [1536, 0], sizes = [128, 64], strides = [1, 1]} : vector<2048x64xf32> to vector<128x64xf32>
    %dot_general3A_137 = arith.constant dense<0.000000e+00> : vector<128x64xf32>
    %dot_general3A_138 = tpu.matmul %convert_element_type3A_27, %slice3A_136, %dot_general3A_137 {dimension_numbers = #tpu.dot_dimension_numbers<[1], [0], [0], [1], [0, 0, 1, 1], [], []>, transpose_lhs_hint = false} : vector<128x128xf32>, vector<128x64xf32>, vector<128x64xf32> -> vector<128x64xf32>
    %add3A_139 = vector.broadcast %add3A_135 : vector<1x64xf32> to vector<128x64xf32>
    %add3A_140 = arith.addf %dot_general3A_138, %add3A_139 : vector<128x64xf32>
    %reduce_sum3A_141 = arith.constant dense<0.000000e+00> : vector<64xf32>
    %reduce_sum3A_142 = vector.multi_reduction <add>, %slice3A_136, %reduce_sum3A_141 [0] : vector<128x64xf32> to vector<64xf32>
    %broadcast_in_dim3A_143 = vector.shape_cast %reduce_sum3A_142 : vector<64xf32> to vector<1x64xf32>
    %add3A_144 = arith.addf %add3A_135, %broadcast_in_dim3A_143 : vector<1x64xf32>
    %slice3A_145 = vector.extract_strided_slice %convert_element_type3A_20 {offsets = [1664, 0], sizes = [128, 64], strides = [1, 1]} : vector<2048x64xf32> to vector<128x64xf32>
    %dot_general3A_146 = arith.constant dense<0.000000e+00> : vector<128x64xf32>
    %dot_general3A_147 = tpu.matmul %convert_element_type3A_27, %slice3A_145, %dot_general3A_146 {dimension_numbers = #tpu.dot_dimension_numbers<[1], [0], [0], [1], [0, 0, 1, 1], [], []>, transpose_lhs_hint = false} : vector<128x128xf32>, vector<128x64xf32>, vector<128x64xf32> -> vector<128x64xf32>
    %add3A_148 = vector.broadcast %add3A_144 : vector<1x64xf32> to vector<128x64xf32>
    %add3A_149 = arith.addf %dot_general3A_147, %add3A_148 : vector<128x64xf32>
    %reduce_sum3A_150 = arith.constant dense<0.000000e+00> : vector<64xf32>
    %reduce_sum3A_151 = vector.multi_reduction <add>, %slice3A_145, %reduce_sum3A_150 [0] : vector<128x64xf32> to vector<64xf32>
    %broadcast_in_dim3A_152 = vector.shape_cast %reduce_sum3A_151 : vector<64xf32> to vector<1x64xf32>
    %add3A_153 = arith.addf %add3A_144, %broadcast_in_dim3A_152 : vector<1x64xf32>
    %slice3A_154 = vector.extract_strided_slice %convert_element_type3A_20 {offsets = [1792, 0], sizes = [128, 64], strides = [1, 1]} : vector<2048x64xf32> to vector<128x64xf32>
    %dot_general3A_155 = arith.constant dense<0.000000e+00> : vector<128x64xf32>
    %dot_general3A_156 = tpu.matmul %convert_element_type3A_27, %slice3A_154, %dot_general3A_155 {dimension_numbers = #tpu.dot_dimension_numbers<[1], [0], [0], [1], [0, 0, 1, 1], [], []>, transpose_lhs_hint = false} : vector<128x128xf32>, vector<128x64xf32>, vector<128x64xf32> -> vector<128x64xf32>
    %add3A_157 = vector.broadcast %add3A_153 : vector<1x64xf32> to vector<128x64xf32>
    %add3A_158 = arith.addf %dot_general3A_156, %add3A_157 : vector<128x64xf32>
    %reduce_sum3A_159 = arith.constant dense<0.000000e+00> : vector<64xf32>
    %reduce_sum3A_160 = vector.multi_reduction <add>, %slice3A_154, %reduce_sum3A_159 [0] : vector<128x64xf32> to vector<64xf32>
    %broadcast_in_dim3A_161 = vector.shape_cast %reduce_sum3A_160 : vector<64xf32> to vector<1x64xf32>
    %add3A_162 = arith.addf %add3A_153, %broadcast_in_dim3A_161 : vector<1x64xf32>
    %slice3A_163 = vector.extract_strided_slice %convert_element_type3A_20 {offsets = [1920, 0], sizes = [128, 64], strides = [1, 1]} : vector<2048x64xf32> to vector<128x64xf32>
    %dot_general3A_164 = arith.constant dense<0.000000e+00> : vector<128x64xf32>
    %dot_general3A_165 = tpu.matmul %convert_element_type3A_27, %slice3A_163, %dot_general3A_164 {dimension_numbers = #tpu.dot_dimension_numbers<[1], [0], [0], [1], [0, 0, 1, 1], [], []>, transpose_lhs_hint = false} : vector<128x128xf32>, vector<128x64xf32>, vector<128x64xf32> -> vector<128x64xf32>
    %add3A_166 = vector.broadcast %add3A_162 : vector<1x64xf32> to vector<128x64xf32>
    %add3A_167 = arith.addf %dot_general3A_165, %add3A_166 : vector<128x64xf32>
    %concatenate3A = tpu.concatenate %add3A_32, %add3A_41, %add3A_50, %add3A_59, %add3A_68, %add3A_77, %add3A_86, %add3A_95, %add3A_104, %add3A_113, %add3A_122, %add3A_131, %add3A_140, %add3A_149, %add3A_158, %add3A_167 in 0 : vector<128x64xf32>, vector<128x64xf32>, vector<128x64xf32>, vector<128x64xf32>, vector<128x64xf32>, vector<128x64xf32>, vector<128x64xf32>, vector<128x64xf32>, vector<128x64xf32>, vector<128x64xf32>, vector<128x64xf32>, vector<128x64xf32>, vector<128x64xf32>, vector<128x64xf32>, vector<128x64xf32>, vector<128x64xf32> -> vector<2048x64xf32>
    %mul3A = arith.mulf %concatenate3A, %convert_element_type3A_20 : vector<2048x64xf32>
    %reduce_sum3A_168 = arith.constant dense<0.000000e+00> : vector<2048xf32>
    %reduce_sum3A_169 = vector.multi_reduction <add>, %mul3A, %reduce_sum3A_168 [1] : vector<2048x64xf32> to vector<2048xf32>
    %broadcast_in_dim3A_170 = vector.shape_cast %reduce_sum3A_169 : vector<2048xf32> to vector<2048x1xf32>
    %convert_element_type3A_171 = arith.fptosi %broadcast_in_dim3A_23 : vector<1x64xf32> to vector<1x64xi32>
    %add3A_172 = arith.constant 7 : i32
    %add3A_173 = vector.broadcast %add3A_172 : i32 to vector<1x64xi32>
    %add3A_174 = arith.addi %convert_element_type3A_171, %add3A_173 : vector<1x64xi32>
    %shift_right_arithmetic3A = arith.constant 3 : i32
    %shift_right_arithmetic3A_175 = vector.broadcast %shift_right_arithmetic3A : i32 to vector<1x64xi32>
    %shift_right_arithmetic3A_176 = arith.shrsi %add3A_174, %shift_right_arithmetic3A_175 : vector<1x64xi32>
    %shift_left3A = arith.constant 3 : i32
    %shift_left3A_177 = vector.broadcast %shift_left3A : i32 to vector<1x64xi32>
    %shift_left3A_178 = arith.shli %shift_right_arithmetic3A_176, %shift_left3A_177 : vector<1x64xi32>
    %iota3A_179 = tpu.iota {dimensions = array<i32: 0>} : vector<64x64xi32>
    %iota3A_180 = tpu.iota {dimensions = array<i32: 1>} : vector<64x64xi32>
    %lt3A_181 = arith.cmpi slt, %iota3A_179, %iota3A_180 : vector<64x64xi32>
    %convert_element_type3A_182 = arith.extui %lt3A_181 : vector<64x64xi1> to vector<64x64xi32>
    %convert_element_type3A_183 = arith.sitofp %convert_element_type3A_182 : vector<64x64xi32> to vector<64x64xf32>
    %convert_element_type3A_184 = arith.sitofp %shift_left3A_178 : vector<1x64xi32> to vector<1x64xf32>
    %dot_general3A_185 = arith.constant dense<0.000000e+00> : vector<1x64xf32>
    %dot_general3A_186 = tpu.matmul %convert_element_type3A_184, %convert_element_type3A_183, %dot_general3A_185 {dimension_numbers = #tpu.dot_dimension_numbers<[1], [0], [0], [1], [0, 0, 1, 1], [], []>, transpose_lhs_hint = false} : vector<1x64xf32>, vector<64x64xf32>, vector<1x64xf32> -> vector<1x64xf32>
    %mul3A_187 = vector.broadcast %dot_general3A_186 : vector<1x64xf32> to vector<2048x64xf32>
    %mul3A_188 = arith.mulf %convert_element_type3A_20, %mul3A_187 : vector<2048x64xf32>
    %reduce_sum3A_189 = arith.constant dense<0.000000e+00> : vector<2048xf32>
    %reduce_sum3A_190 = vector.multi_reduction <add>, %mul3A_188, %reduce_sum3A_189 [1] : vector<2048x64xf32> to vector<2048xf32>
    %broadcast_in_dim3A_191 = vector.shape_cast %reduce_sum3A_190 : vector<2048xf32> to vector<2048x1xf32>
    %add3A_192 = arith.addf %broadcast_in_dim3A_191, %broadcast_in_dim3A_170 : vector<2048x1xf32>
    %convert_element_type3A_193 = arith.fptosi %add3A_192 : vector<2048x1xf32> to vector<2048x1xi32>
    %swap3A_194 = arith.constant 0 : index
    %swap3A_195 = arith.constant 0 : index
    %swap3A_196 = vector.load %arg3[%swap3A_194, %swap3A_195] : memref<2048x1xi32, #tpu.memory_space<vmem>>, vector<2048x1xi32>
    tpu.vector_store %arg3[%swap3A_194, %swap3A_195], %convert_element_type3A_193 {strides = array<i32>} : memref<2048x1xi32, #tpu.memory_space<vmem>>, vector<2048x1xi32>,
    %broadcast_in_dim3A_197 = vector.shape_cast %div3A_13 : vector<2048x1xf32> to vector<2048x1xf32>
    %broadcast_in_dim3A_198 = vector.broadcast %broadcast_in_dim3A_197 : vector<2048x1xf32> to vector<2048x128xf32>
    %swap3A_199 = arith.constant 0 : index
    %swap3A_200 = arith.constant 0 : index
    %swap3A_201 = vector.load %arg4[%swap3A_199, %swap3A_200] : memref<2048x128xf32, #tpu.memory_space<vmem>>, vector<2048x128xf32>
    tpu.vector_store %arg4[%swap3A_199, %swap3A_200], %broadcast_in_dim3A_198 {strides = array<i32>} : memref<2048x128xf32, #tpu.memory_space<vmem>>, vector<2048x128xf32>,
    %swap3A_202 = arith.constant 0 : index
    %swap3A_203 = arith.constant 0 : index
    %swap3A_204 = vector.load %arg5[%swap3A_202, %swap3A_203] : memref<1x64xi32, #tpu.memory_space<vmem>>, vector<1x64xi32>
    tpu.vector_store %arg5[%swap3A_202, %swap3A_203], %convert_element_type3A_171 {strides = array<i32>} : memref<1x64xi32, #tpu.memory_space<vmem>>, vector<1x64xi32>,
    %convert_element_type3A_205 = arith.fptosi %dot_general3A_186 : vector<1x64xf32> to vector<1x64xi32>
    %swap3A_206 = arith.constant 0 : index
    %swap3A_207 = arith.constant 0 : index
    %swap3A_208 = vector.load %arg6[%swap3A_206, %swap3A_207] : memref<1x64xi32, #tpu.memory_space<vmem>>, vector<1x64xi32>
    tpu.vector_store %arg6[%swap3A_206, %swap3A_207], %convert_element_type3A_205 {strides = array<i32>} : memref<1x64xi32, #tpu.memory_space<vmem>>, vector<1x64xi32>,
    return
  }
}

</mosaic_0001>

<sc_bundles>
// kernel: kernel.6.cloned.1.call-start
scs
__scs_entry_jumppad:
0x0: {  	(pc) =	sbr.rel $0x88, $3  }
0x1: {  	(tag) =	ssettag $0x0;
	lr =	simm.s32 $0x1  }
0x2: {  	[smem:$0x3F9D] =	sst lr;
	_ =	strace $0xD0000000  }
0x3: {  	_ = 	snop  }
0x4: {  	_ = 	snop  }
0x5: {  	_ = 	snop  }
0x6: {  	_ = 	snop  }
0x7: {  	_ = 	snop  }
__scs_overlays_trampoline_lowered:
0x8: {  	[smem:$0x3FAC] =	sst s0  }
0x9: {  	[smem:$0x3FAD] =	sst s1  }
0xa: {  	[smem:$0x3FAE] =	sst s2  }
0xb: {  	[smem:$0x3FAF] =	sst s3  }
0xc: {  	[smem:$0x3FB0] =	sst s4  }
0xd: {  	[smem:$0x3FB1] =	sst s5  }
0xe: {  	[smem:$0x3FB2] =	sst s6  }
0xf: {  	[smem:$0x3FB3] =	sst s7  }
0x10: {  	[smem:$0x3FB4] =	sst s8  }
0x11: {  	[smem:$0x3FB5] =	sst s9;
	s0 =	simm.s32 @!p0 $0x0  }
0x12: {  	s1 =	sld [smem:$0x3F9B];
	s0 =	simm.s32 @p0 $0x1  }
0x13: {  	[smem:$0x3FB6] =	sst s0;
	s0 =	simm.s32 @!p1 $0x0  }
0x14: {  	s2 =	sld [smem:$0x3F9A];
	s0 =	simm.s32 @p1 $0x1  }
0x15: {  	[smem:$0x3FB7] =	sst s0;
	s0 =	simm.s32 @!p2 $0x0  }
0x16: {  	s3 =	sld [smem:$0x3FDB];
	s0 =	simm.s32 @p2 $0x1  }
0x17: {  	s4 =	simm.s32 $0x1BF5;
	[smem:$0x3FB9] =	sst s0  }
0x18: {  	s0 =	sld [smem:$0x3F9C];
	_ =	swait.ge [sflag:s4], $0x0  }
0x19: {  	s7 =	sld [smem:$0x3F9D]  }
0x1a: {  	s8 =	sadd.s32 $0xFFFFE003, lr  }
0x1b: {  	s9 =	sadd.s32 $0xFFFFFEF7, lr;
	s5 =	simm.s32 $0xFFFFFFFF;
	p2 =	slt.u32 s8, $0xFFFFF086  }
0x1c: {  	p1 =	slt.u32 s9, $0xF7A;
	s5 =	simm.s32 @!p2 $0x0  }
0x1d: {  	s5 =	simm.s32 @p1 $0x1;
	p0 =	seq.s32 s7, s2  }
0x1e: {  	s7 =	smul.u32 @!p0 $0xF7A, s2;
	p2 =	seq.s32 @!p0 s5, $0x0  }
0x1f: {  	s9 =	smul.u32 $0xF7A, s1;
	s8 =	simm.s32 @!p0 $0x1BF5;
	p2 =	por !p2, p0  }
0x20: {  	[sflag:s8] =	ssyncset.s32 @!p0 $0xFFFFF086;
	s6 =	sadd.s32 @!p0 s3, s7;
	s7 =	simm.s32 @!p0 $0x108  }
0x21: {  	s3 =	sadd.s32 s3, s9;
	s6 =	sadd.s32 @!p0 $0x88, s6;
	s7 =	simm.s32 @p2 $0x1082  }
0x22: {  	[simem:s7], [sflag:s8] =	dma.local @!p0 [hbm:s6], $0xF7A  }
0x23: {  	s9 =	sor.u32 $0xD0000000, s2;
	s6 =	simm.s32 $0x108;
	_ =	swait.ge @!p0 [sflag:s8], $0x0  }
0x24: {  	s3 =	sadd.s32 $0x88, s3;
	s6 =	simm.s32 @!p1 $0x1082;
	[sflag:s4] =	ssyncset.s32 $0xFFFFF086  }
0x25: {  	[simem:s6], [sflag:s4] =	dma.local [hbm:s3], $0xF7A  }
0x26: {  	[smem:$0x3F9D] =	sst s1;
	(tag) =	ssettag s2;
	_ =	strace s9  }
0x27: {  	s1 =	sld [smem:$0x3FAD]  }
0x28: {  	s2 =	sld [smem:$0x3FAE]  }
0x29: {  	s4 =	sld [smem:$0x3FB0]  }
0x2a: {  	p0 =	seq.s32 s5, $0x0;
	s5 =	sld [smem:$0x3FB1]  }
0x2b: {  	s6 =	sld [smem:$0x3FB2]  }
0x2c: {  	s7 =	sld [smem:$0x3FB3]  }
0x2d: {  	s3 =	simm.s32 $0x108;
	s8 =	sld [smem:$0x3FB4]  }
0x2e: {  	s3 =	simm.s32 @!p0 $0x1082;
	s9 =	sld [smem:$0x3FB5]  }
0x2f: {  	lr =	sadd.s32 s0, s3;
	s0 =	sld [smem:$0x3FAC]  }
0x30: {  	s3 =	sld [smem:$0x3FAF]  }
0x31: {  	[smem:$0x3FB8] =	sst s10  }
0x32: {  	s10 =	sld [smem:$0x3FB6];
	_ =	sdelay $0x3  }
0x33: {  	p0 =	seq.s32 s10, $0x1;
	s10 =	sld [smem:$0x3FB8];
	_ =	sdelay $0x3  }
0x34: {  	[smem:$0x3FB8] =	sst s10  }
0x35: {  	s10 =	sld [smem:$0x3FB7];
	_ =	sdelay $0x3  }
0x36: {  	p1 =	seq.s32 s10, $0x1;
	s10 =	sld [smem:$0x3FB8];
	_ =	sdelay $0x3  }
0x37: {  	[smem:$0x3FB8] =	sst s10  }
0x38: {  	s10 =	sld [smem:$0x3FB9]  }
0x39: {  	_ = 	snop;
	(pc) =	sbr.ind lr, $3  }
0x3a: {  	_ = 	snop  }
0x3b: {  	_ = 	snop  }
0x3c: {  	p2 =	seq.s32 s10, $0x1;
	s10 =	sld [smem:$0x3FB8]  }
0x3d: {  	_ =	shalt  }
0x3e: {  	_ =	shalt  }
0x3f: {  	_ =	shalt  }
0x40: {  	_ =	shalt  }
0x41: {  	_ =	shalt  }
0x42: {  	_ =	shalt  }
0x43: {  	_ =	shalt  }
0x44: {  	_ =	shalt  }
0x45: {  	_ =	shalt  }
0x46: {  	_ =	shalt  }
0x47: {  	_ =	shalt  }
0x48: {  	_ =	shalt  }
0x49: {  	_ =	shalt  }
0x4a: {  	_ =	shalt  }
0x4b: {  	_ =	shalt  }
0x4c: {  	_ =	shalt  }
0x4d: {  	_ =	shalt  }
0x4e: {  	_ =	shalt  }
0x4f: {  	_ =	shalt  }
0x50: {  	_ =	shalt  }
0x51: {  	_ =	shalt  }
0x52: {  	_ =	shalt  }
0x53: {  	_ =	shalt  }
0x54: {  	_ =	shalt  }
0x55: {  	_ =	shalt  }
0x56: {  	_ =	shalt  }
0x57: {  	_ =	shalt  }
0x58: {  	_ =	shalt  }
0x59: {  	_ =	shalt  }
0x5a: {  	_ =	shalt  }
0x5b: {  	_ =	shalt  }
0x5c: {  	_ =	shalt  }
0x5d: {  	_ =	shalt  }
0x5e: {  	_ =	shalt  }
0x5f: {  	_ =	shalt  }
0x60: {  	_ =	shalt  }
0x61: {  	_ =	shalt  }
0x62: {  	_ =	shalt  }
0x63: {  	_ =	shalt  }
0x64: {  	_ =	shalt  }
0x65: {  	_ =	shalt  }
0x66: {  	_ =	shalt  }
0x67: {  	_ =	shalt  }
0x68: {  	_ =	shalt  }
0x69: {  	_ =	shalt  }
0x6a: {  	_ =	shalt  }
0x6b: {  	_ =	shalt  }
0x6c: {  	_ =	shalt  }
0x6d: {  	_ =	shalt  }
0x6e: {  	_ =	shalt  }
0x6f: {  	_ =	shalt  }
0x70: {  	_ =	shalt  }
0x71: {  	_ =	shalt  }
0x72: {  	_ =	shalt  }
0x73: {  	_ =	shalt  }
0x74: {  	_ =	shalt  }
0x75: {  	_ =	shalt  }
0x76: {  	_ =	shalt  }
0x77: {  	_ =	shalt  }
0x78: {  	_ =	shalt  }
0x79: {  	_ =	shalt  }
0x7a: {  	_ =	shalt  }
0x7b: {  	_ =	shalt  }
0x7c: {  	_ =	shalt  }
0x7d: {  	_ =	shalt  }
0x7e: {  	_ =	shalt  }
0x7f: {  	_ =	shalt  }
0x80: {  	_ =	shalt  }
0x81: {  	_ =	shalt  }
0x82: {  	_ =	shalt  }
0x83: {  	_ =	shalt  }
0x84: {  	_ =	shalt  }
0x85: {  	_ =	shalt  }
0x86: {  	_ =	shalt  }
0x87: {  	_ =	shalt  }
.Lfunc_end0:
.L_simem_size_0:
called_computation_lowered:
.L_overlay_start_0:
0x88: {  	s2 =	sld [smem:$0x3FD9]  }
0x89: {  	s3 =	sld [smem:$0x3FFE];
	_ =	sdelay $0x1  }
0x8a: {  	s1 =	srdreg.scid  }
0x8b: {  	s0 =	sand.u32 $0x1, s1  }
0x8c: {  	s14 =	sshll.u32 s0, $0xA;
	s2 =	sadd.s32 s3, s2  }
0x8d: {  	s2 =	sadd.s32 s2, s14  }
0x8e: {  	[smem:$0x3FC4] =	sst s2  }
0x8f: {  	_ = 	snop  }
0x90: {  	s2 =	sld [smem:$0x3FD0];
	_ =	sdelay $0x2  }
0x91: {  	s4 =	simm.s32 $0xA;
	s5 =	simm.s32 $0x10;
	s15 =	sld [smem:$0x3FC9]  }
0x92: {  	[smem:s5], [sflag:s4] =	dma.local [hbm:s2], $0x1  }
0x93: {  	_ =	swait.eq [sflag:s4], $0x1  }
0x94: {  	[sflag:s4] =	ssyncset.done $0x0  }
0x95: {  	[sflag:s4] =	ssyncadd.s32 $0xFFFFFFFF  }
0x96: {  	s16 =	sld [smem:$0x10];
	(tm) =	ssettm $0x1  }
0x97: {  	s17 =	sld [smem:$0x3FFB];
	_ =	sdelay $0x3  }
0x98: {  	_ =	strace s17  }
0x99: {  	s4 =	sld [smem:$0x3FFC];
	_ =	sdelay $0x3  }
0x9a: {  	_ =	strace s4  }
0x9b: {  	s4 =	sld [smem:$0x3FFD];
	_ =	sdelay $0x3  }
0x9c: {  	_ =	strace s4  }
0x9d: {  	_ =	strace $0x8FFFFFFF  }
0x9e: {  	s18 =	sld [smem:$0x3FDB];
	_ =	sdelay $0x1  }
0x9f: {  	s19 =	simm.s32 $_scs_section_size  }
0xa0: {  	s6 =	simm.s32 $_size__tile_overlayer_lowered;
	s7 =	simm.s32 $_tile_overlayer_lowered  }
0xa1: {  	s22 =	simm.s32 $0x1BFF;
	s21 =	sshll.u32 s7, $0x1;
	s4 =	sadd.s32 s19, s18  }
0xa2: {  	s8 =	simm.s32 $0x0;
	s20 =	sshll.u32 s6, $0x1;
	s6 =	sadd.s32 s21, s4  }
0xa3: {  	[timem:s8], [sflag:s22] =	dma.local [hbm:s6], s20  }
0xa4: {  	_ =	swait.ge [sflag:s22], s20  }
0xa5: {  	s5 =	ssub.s32 $0x0, s20;
	[sflag:s22] =	ssyncset.done $0x0  }
0xa6: {  	[sflag:s22] =	ssyncadd.s32 s5;
	_ =	sdelay $0x1  }
0xa7: {  	s23 =	simm.s32 $0x1B8B  }
0xa8: {  	_ =	swait.ge [sflag:s23], $0x1  }
0xa9: {  	[sflag:s23] =	ssyncset.done $0x0  }
0xaa: {  	s25 =	simm.s32 $0x1B8E;
	s24 =	sld [smem:$0x3FFE];
	[sflag:s23] =	ssyncadd.s32 $0xFFFFFFFF  }
0xab: {  	s26 =	simm.s32 $execute0_lowered;
	[smem:$0x3FD2] =	sst s25  }
0xac: {  	s6 =	sshll.u32 s26, $0x1;
	_ =	strace $0x80000046;
	[dreg:$0x1] =	wrdreg $0xFFFFFFFF  }
0xad: {  	s28 =	simm.s32 $_size_execute0_lowered;
	s4 =	sadd.s32 s4, s6;
	[dreg:$0x0] =	wrdreg $0x0  }
0xae: {  	s6 =	sshll.u32 s28, $0x1;
	[dreg:$0x2] =	wrdreg s4  }
0xaf: {  	[dreg:$0x3] =	wrdreg s6  }
0xb0: {  	[dreg:$0x4] =	wrdreg $0xC0  }
0xb1: {  	_ =	task [dreg:s8], $0x5FFFF  }
0xb2: {  	[dreg:$0x1] =	wrdreg $0xFFFFFFFF  }
0xb3: {  	[dreg:$0x0] =	wrdreg $0x60  }
0xb4: {  	[dreg:$0x2] =	wrdreg s15  }
0xb5: {  	[dreg:$0x3] =	wrdreg s16  }
0xb6: {  	[dreg:$0x4] =	wrdreg s24  }
0xb7: {  	[dreg:$0x5] =	wrdreg $0x9  }
0xb8: {  	_ =	task.clear_ibuf [dreg:s8], $0x6FFFF;
	_ =	strace $0x90000046  }
0xb9: {  	s29 =	simm.s32 $0x9;
	_ =	strace $0x80000048  }
0xba: {  	_ =	swait.ge [sflag:s29], $0x1  }
0xbb: {  	[sflag:s29] =	ssyncadd.s32 $0xFFFFFFFF  }
0xbc: {  	_ =	strace $0x90000048  }
0xbd: {  	_ =	sfence  }
0xbe: {  	s30 =	sld [smem:$0x0];
	_ =	sdelay $0x2  }
0xbf: {  	s31 =	sshll.u32 s1, $0xD;
	s1 =	sshrl.u32 s1, $0x2  }
0xc0: {  	s3 =	sand.u32 $0x4000, s31;
	s1 =	sadd.s32 s1, s30  }
0xc1: {  	s0 =	sor.u32 s3, s0;
	s1 =	sshll.u32 s1, $0x11  }
0xc2: {  	s0 =	sor.u32 s1, s0  }
0xc3: {  	s0 =	sadd.s32 $0x8F2B, s0  }
0xc4: {  	[sflag:s0] =	ssyncadd.remote.s32 $0x1  }
0xc5: {  	_ =	sfence.sel $0xFFFF  }
0xc6: {  	[dreg:$0x0] =	wrdreg $0xFFFFFFFF;
	(pc) =	sbr.abs _section_cstart, $3  }
0xc7: {  	[dreg:$0x1] =	wrdreg $0xFFFFFFFF  }
0xc8: {  	_ =	task.clear_ibuf [dreg:s8], $0x2FFFF;
	_ =	strace $0x9FFFFFFF  }
0xc9: {  	(tm) =	ssettm $0x7FFFFFFF  }
tec
execute0_lowered:
.L_overlay_start_1:
0x0: {  	(tag) =	ssettag $0x1  }
0x1: {  	s1 =	srdreg.scid;
	s3 =	rddreg [dreg:$0x0]  }
0x2: {  	s0 =	stileid.u32;
	s5 =	rddreg [dreg:$0x1]  }
0x3: {  	s8 =	rddreg [dreg:$0x2];
	s15 =	simm.s32 $0x880;
	s16 =	simm.s32 $0x1080  }
0x4: {  	s17 =	simm.s32 $0x2480;
	s18 =	simm.s32 $0x2C80;
	s1 =	sand.u32 $0x1, s1  }
0x5: {  	s19 =	simm.s32 $0x4080;
	s2 =	sshll.u32 s0, $0x7;
	s4 =	sshll.u32 s1, $0x6  }
0x6: {  	s20 =	simm.s32 $0x4880;
	s4 =	sor.u32 s4, s2;
	s2 =	simm.s32 $0x0  }
0x7: {  	s21 =	simm.s32 $0x5C80;
	s22 =	simm.s32 $0x6480;
	[smem:$0x7FF] =	sst s2  }
0x8: {  	s28 =	simm.s32 $0x1;
	_ =	strace $0x80000047;
	[dreg:$0x13] =	wrdreg s15  }
0x9: {  	s29 =	simm.s32 $0x2;
	s1 =	ssub.s32 $0x2, s1;
	[dreg:$0x14] =	wrdreg s16  }
0xa: {  	s31 =	simm.s32 $0xCC80;
	s12 =	sshrl.u32 s1, $0x1;
	[dreg:$0x15] =	wrdreg s17  }
0xb: {  	s6 =	sshrl.u32 s4, $0x3;
	s4 =	sshll.u32 s4, $0x4;
	[dreg:$0x16] =	wrdreg s18  }
0xc: {  	s1 =	ssub.s32 s1, s12;
	s12 =	simm.s32 $0x3880;
	[dreg:$0x17] =	wrdreg s19  }
0xd: {  	s7 =	smul.u32 $0x300, s6;
	s6 =	sadd.s32 s6, s8;
	[dreg:$0x18] =	wrdreg s20  }
0xe: {  	s4 =	sadd.s32 s5, s4;
	s5 =	sadd.s32 $0x9600, s8;
	[dreg:$0x19] =	wrdreg s21  }
0xf: {  	s15 =	simm.s32 $0x8C80;
	[dreg:$0x1a] =	wrdreg s22;
	s6 =	sadd.s32 $0x9400, s6  }
0x10: {  	s16 =	simm.s32 $0xA880;
	s9 =	sadd.s32 $0x80, s4;
	[dreg:$0x12] =	wrdreg s6  }
0x11: {  	s17 =	simm.s32 $0xC480;
	s10 =	sadd.s32 $0x100, s4;
	[dreg:$0xb] =	wrdreg s9  }
0x12: {  	s18 =	simm.s32 $0x1880;
	s11 =	sadd.s32 $0x180, s4;
	[dreg:$0xc] =	wrdreg s10  }
0x13: {  	s19 =	simm.s32 $0x3480;
	s13 =	sadd.s32 $0x200, s4;
	[dreg:$0xd] =	wrdreg s11  }
0x14: {  	s20 =	simm.s32 $0x5080;
	s14 =	sadd.s32 $0x280, s4;
	[dreg:$0xe] =	wrdreg s13  }
0x15: {  	s21 =	simm.s32 $0x6C80;
	[dreg:$0xf] =	wrdreg s14;
	s9 =	sadd.s32 $0x300, s4  }
0x16: {  	s3 =	sadd.s32 s3, s7;
	s10 =	sadd.s32 $0x380, s4;
	[dreg:$0x10] =	wrdreg s9  }
0x17: {  	s22 =	simm.s32 $0x8880;
	s23 =	sadd.s32 $0x300, s3;
	[dreg:$0x11] =	wrdreg s10  }
0x18: {  	s6 =	sadd.s32 $0x9700, s8;
	s24 =	sadd.s32 $0x600, s3;
	[dreg:$0x4] =	wrdreg s23  }
0x19: {  	s11 =	simm.s32 $0x1C80;
	s25 =	sadd.s32 $0x900, s3;
	[dreg:$0x5] =	wrdreg s24  }
0x1a: {  	s13 =	simm.s32 $0x5480;
	s26 =	sadd.s32 $0xC00, s3;
	[dreg:$0x6] =	wrdreg s25  }
0x1b: {  	s14 =	simm.s32 $0x7080;
	s30 =	sadd.s32 $0xF00, s3;
	[dreg:$0x7] =	wrdreg s26  }
0x1c: {  	s0 =	sadd.s32 $0x1200, s3;
	s7 =	sadd.s32 $0x1500, s3;
	[dreg:$0x8] =	wrdreg s30  }
0x1d: {  	s9 =	smax.u32 s1, $0x1;
	s10 =	simm.s32 $0x80;
	[dreg:$0x9] =	wrdreg s0  }
0x1e: {  	s1 =	simm.s32 $0xD480;
	[dreg:$0xa] =	wrdreg s7;
	s23 =	simm.s32 $0x7880  }
0x1f: {  	s7 =	sadd.s32 $0x9800, s8;
	s24 =	simm.s32 $0x8080;
	[dreg:$0x1b] =	wrdreg s23  }
0x20: {  	s8 =	sadd.s32 $0x9900, s8;
	s25 =	simm.s32 $0x9480;
	[dreg:$0x1c] =	wrdreg s24  }
0x21: {  	v2 =	vlaneseq.u32;
	s26 =	simm.s32 $0x9C80;
	s30 =	simm.s32 $0xB080;
	[dreg:$0x1d] =	wrdreg s25  }
0x22: {  	vm0 =	vmmov $0xffff;
	vm1 =	vmmov $0xff;
	v1 =	vshrl.u32 v2, $0x3;
	s23 =	simm.s32 $0xA480;
	[dreg:$0x1e] =	wrdreg s26;
	s24 =	simm.s32 $0xC080  }
0x23: {  	v0 =	vand.u32 $0x7, v2;
	v2 =	vor.u32 $0x8, v2;
	v1 =	vmul.u32 $0x8, v1;
	[dreg:$0x1f] =	wrdreg s30;
	s25 =	simm.s32 $0xDC80;
	s26 =	simm.s32 $0x3  }
.LBB2_1:
0x24: {  	[tilespmem:s10], [sflag:$0x1] =	stream.linear.gather [hbm4b:s3+s2], $0x1800, $0x38;
	[tilespmem:$0xE080] =	vst v63  }
0x25: {  	s0 =	rddreg [dreg:$0x4]  }
0x26: {  	[tilespmem:s11], [sflag:$0x1] =	stream.linear.gather [hbm4b:s0+s2], $0x1800, $0x38;
	[tilespmem:$0xE080] =	vst v63  }
0x27: {  	s30 =	rddreg [dreg:$0x5]  }
0x28: {  	[tilespmem:s12], [sflag:$0x1] =	stream.linear.gather [hbm4b:s30+s2], $0x1800, $0x38;
	[tilespmem:$0xE080] =	vst v63  }
0x29: {  	s0 =	rddreg [dreg:$0x6]  }
0x2a: {  	[tilespmem:s13], [sflag:$0x1] =	stream.linear.gather [hbm4b:s0+s2], $0x1800, $0x38;
	[tilespmem:$0xE080] =	vst v63  }
0x2b: {  	s30 =	rddreg [dreg:$0x7]  }
0x2c: {  	[tilespmem:s14], [sflag:$0x1] =	stream.linear.gather [hbm4b:s30+s2], $0x1800, $0x38;
	[tilespmem:$0xE080] =	vst v63  }
0x2d: {  	s0 =	rddreg [dreg:$0x8]  }
0x2e: {  	[tilespmem:s15], [sflag:$0x1] =	stream.linear.gather [hbm4b:s0+s2], $0x1800, $0x38;
	[tilespmem:$0xE080] =	vst v63  }
0x2f: {  	s30 =	rddreg [dreg:$0x9]  }
0x30: {  	[tilespmem:s16], [sflag:$0x1] =	stream.linear.gather [hbm4b:s30+s2], $0x1800, $0x38;
	[tilespmem:$0xE080] =	vst v63  }
0x31: {  	s0 =	rddreg [dreg:$0xa]  }
0x32: {  	[tilespmem:s17], [sflag:$0x1] =	stream.linear.gather [hbm4b:s0+s2], $0x1800, $0x38;
	[tilespmem:$0xE080] =	vst v63  }
0x33: {  	_ = 	snop  }
0x34: {  	[tilespmem:s18], [sflag:$0x2] =	stream.linear.gather [hbm4b:s4+s2], $0x400, $0x38;
	[tilespmem:$0xE080] =	vst v63  }
0x35: {  	s0 =	rddreg [dreg:$0xb]  }
0x36: {  	[tilespmem:s19], [sflag:$0x2] =	stream.linear.gather [hbm4b:s0+s2], $0x400, $0x38;
	[tilespmem:$0xE080] =	vst v63  }
0x37: {  	s30 =	rddreg [dreg:$0xc]  }
0x38: {  	[tilespmem:s20], [sflag:$0x2] =	stream.linear.gather [hbm4b:s30+s2], $0x400, $0x38;
	[tilespmem:$0xE080] =	vst v63  }
0x39: {  	s0 =	rddreg [dreg:$0xd]  }
0x3a: {  	[tilespmem:s21], [sflag:$0x2] =	stream.linear.gather [hbm4b:s0+s2], $0x400, $0x38;
	[tilespmem:$0xE080] =	vst v63  }
0x3b: {  	s30 =	rddreg [dreg:$0xe]  }
0x3c: {  	[tilespmem:s22], [sflag:$0x2] =	stream.linear.gather [hbm4b:s30+s2], $0x400, $0x38;
	[tilespmem:$0xE080] =	vst v63  }
0x3d: {  	s0 =	rddreg [dreg:$0xf]  }
0x3e: {  	[tilespmem:s23], [sflag:$0x2] =	stream.linear.gather [hbm4b:s0+s2], $0x400, $0x38;
	[tilespmem:$0xE080] =	vst v63  }
0x3f: {  	s30 =	rddreg [dreg:$0x10]  }
0x40: {  	[tilespmem:s24], [sflag:$0x2] =	stream.linear.gather [hbm4b:s30+s2], $0x400, $0x38;
	[tilespmem:$0xE080] =	vst v63  }
0x41: {  	s0 =	rddreg [dreg:$0x11]  }
0x42: {  	[tilespmem:s25], [sflag:$0x2] =	stream.linear.gather [hbm4b:s0+s2], $0x400, $0x38;
	[tilespmem:$0xE080] =	vst v63  }
0x43: {  	s30 =	rddreg [dreg:$0x12]  }
0x44: {  	[tilespmem:s2], [sflag:$0x3] =	stream.linear.gather [hbm4b:s30+s2], $0x40, $0x38;
	[tilespmem:$0xE080] =	vst v63  }
0x45: {  	_ =	swait.ge [sflag:s26], $0x40  }
0x46: {  	[sflag:s26] =	ssyncset.done $0x0  }
0x47: {  	[sflag:s26] =	ssyncadd.s32 $0xFFFFFFC0  }
0x48: {  	_ =	swait.ge [sflag:s28], $0xC000  }
0x49: {  	[sflag:s28] =	ssyncset.done $0x0  }
0x4a: {  	[sflag:s28] =	ssyncadd.s32 $0xFFFF4000  }
0x4b: {  	_ =	swait.ge [sflag:s29], $0x2000  }
0x4c: {  	[sflag:s29] =	ssyncset.done $0x0  }
0x4d: {  	[sflag:s29] =	ssyncadd.s32 $0xFFFFE000  }
0x4e: {  	v3 =	vld [tilespmem:$0x0];
	_ =	sdelay $0x4  }
0x4f: {  	v4 =	vshrl.u32 v3, $0x3  }
0x50: {  	v4 =	vmul.u32 $0x38, v4  }
0x51: {  	v3 =	vand.u32 $0x7, v3  }
0x52: {  	v3 =	vor.u32 v3, v4  }
0x53: {  	v4 =	vperm.xlane v3, v0;
	_ =	sdelay $0x1  }
0x54: {  	v4 =	vadd.s32 v1, v4;
	_ =	sdelay $0x4  }
0x55: {  	[hbm4b:s5+s2] =	stream.indirect_vreg.scatter [tilespmem:s10], [sflag:$0x1], $0x80, v4, vm0, $0xb8;
	[tilespmem:$0xE080] =	vst v63  }
0x56: {  	s0 =	rddreg [dreg:$0x13];
	v3 =	vperm.xlane v3, v2  }
0x57: {  	[hbm4b:s6+s2] =	stream.indirect_vreg.scatter [tilespmem:s0], [sflag:$0x1], $0x80, v4, vm0, $0xb8;
	[tilespmem:$0xE080] =	vst v63  }
0x58: {  	s30 =	rddreg [dreg:$0x14];
	v3 =	vadd.s32 v1, v3  }
0x59: {  	[hbm4b:s7+s2] =	stream.indirect_vreg.scatter [tilespmem:s30], [sflag:$0x1], $0x80, v4, vm0, $0xb8;
	[tilespmem:$0xE080] =	vst v63  }
0x5a: {  	_ = 	snop  }
0x5b: {  	[hbm4b:s8+s2] =	stream.indirect_vreg.scatter [tilespmem:s18], [sflag:$0x1], $0x80, v4, vm1, $0xb8;
	[tilespmem:$0xE080] =	vst v63  }
0x5c: {  	_ = 	snop  }
0x5d: {  	[hbm4b:s5+s2] =	stream.indirect_vreg.scatter [tilespmem:s11], [sflag:$0x1], $0x80, v3, vm0, $0xb8;
	[tilespmem:$0xE080] =	vst v63  }
0x5e: {  	s0 =	rddreg [dreg:$0x15]  }
0x5f: {  	[hbm4b:s6+s2] =	stream.indirect_vreg.scatter [tilespmem:s0], [sflag:$0x1], $0x80, v3, vm0, $0xb8;
	[tilespmem:$0xE080] =	vst v63  }
0x60: {  	s30 =	rddreg [dreg:$0x16]  }
0x61: {  	[hbm4b:s7+s2] =	stream.indirect_vreg.scatter [tilespmem:s30], [sflag:$0x1], $0x80, v3, vm0, $0xb8;
	[tilespmem:$0xE080] =	vst v63  }
0x62: {  	_ = 	snop  }
0x63: {  	[hbm4b:s8+s2] =	stream.indirect_vreg.scatter [tilespmem:s19], [sflag:$0x1], $0x80, v3, vm1, $0xb8;
	[tilespmem:$0xE080] =	vst v63  }
0x64: {  	v3 =	vld [tilespmem:$0x10];
	_ =	sdelay $0x4  }
0x65: {  	v61 =	vshrl.u32 v3, $0x3  }
0x66: {  	v4 =	vmul.u32 $0x38, v61  }
0x67: {  	v3 =	vand.u32 $0x7, v3  }
0x68: {  	v3 =	vor.u32 v3, v4  }
0x69: {  	v4 =	vperm.xlane v3, v0;
	_ =	sdelay $0x1  }
0x6a: {  	v4 =	vadd.s32 v1, v4;
	_ =	sdelay $0x4  }
0x6b: {  	[hbm4b:s5+s2] =	stream.indirect_vreg.scatter [tilespmem:s12], [sflag:$0x1], $0x80, v4, vm0, $0xb8;
	[tilespmem:$0xE080] =	vst v63  }
0x6c: {  	s0 =	rddreg [dreg:$0x17];
	v3 =	vperm.xlane v3, v2  }
0x6d: {  	[hbm4b:s6+s2] =	stream.indirect_vreg.scatter [tilespmem:s0], [sflag:$0x1], $0x80, v4, vm0, $0xb8;
	[tilespmem:$0xE080] =	vst v63  }
0x6e: {  	s30 =	rddreg [dreg:$0x18];
	v3 =	vadd.s32 v1, v3  }
0x6f: {  	[hbm4b:s7+s2] =	stream.indirect_vreg.scatter [tilespmem:s30], [sflag:$0x1], $0x80, v4, vm0, $0xb8;
	[tilespmem:$0xE080] =	vst v63  }
0x70: {  	_ = 	snop  }
0x71: {  	[hbm4b:s8+s2] =	stream.indirect_vreg.scatter [tilespmem:s20], [sflag:$0x1], $0x80, v4, vm1, $0xb8;
	[tilespmem:$0xE080] =	vst v63  }
0x72: {  	_ = 	snop  }
0x73: {  	[hbm4b:s5+s2] =	stream.indirect_vreg.scatter [tilespmem:s13], [sflag:$0x1], $0x80, v3, vm0, $0xb8;
	[tilespmem:$0xE080] =	vst v63  }
0x74: {  	s0 =	rddreg [dreg:$0x19]  }
0x75: {  	[hbm4b:s6+s2] =	stream.indirect_vreg.scatter [tilespmem:s0], [sflag:$0x1], $0x80, v3, vm0, $0xb8;
	[tilespmem:$0xE080] =	vst v63  }
0x76: {  	s30 =	rddreg [dreg:$0x1a]  }
0x77: {  	[hbm4b:s7+s2] =	stream.indirect_vreg.scatter [tilespmem:s30], [sflag:$0x1], $0x80, v3, vm0, $0xb8;
	[tilespmem:$0xE080] =	vst v63  }
0x78: {  	_ = 	snop  }
0x79: {  	[hbm4b:s8+s2] =	stream.indirect_vreg.scatter [tilespmem:s21], [sflag:$0x1], $0x80, v3, vm1, $0xb8;
	[tilespmem:$0xE080] =	vst v63  }
0x7a: {  	v3 =	vld [tilespmem:$0x20];
	_ =	sdelay $0x4  }
0x7b: {  	v62 =	vshrl.u32 v3, $0x3  }
0x7c: {  	v4 =	vmul.u32 $0x38, v62  }
0x7d: {  	v3 =	vand.u32 $0x7, v3  }
0x7e: {  	v3 =	vor.u32 v3, v4  }
0x7f: {  	v4 =	vperm.xlane v3, v0;
	_ =	sdelay $0x1  }
0x80: {  	v4 =	vadd.s32 v1, v4;
	_ =	sdelay $0x4  }
0x81: {  	[hbm4b:s5+s2] =	stream.indirect_vreg.scatter [tilespmem:s14], [sflag:$0x1], $0x80, v4, vm0, $0xb8;
	[tilespmem:$0xE080] =	vst v63  }
0x82: {  	s0 =	rddreg [dreg:$0x1b];
	v3 =	vperm.xlane v3, v2  }
0x83: {  	[hbm4b:s6+s2] =	stream.indirect_vreg.scatter [tilespmem:s0], [sflag:$0x1], $0x80, v4, vm0, $0xb8;
	[tilespmem:$0xE080] =	vst v63  }
0x84: {  	s30 =	rddreg [dreg:$0x1c];
	v3 =	vadd.s32 v1, v3  }
0x85: {  	[hbm4b:s7+s2] =	stream.indirect_vreg.scatter [tilespmem:s30], [sflag:$0x1], $0x80, v4, vm0, $0xb8;
	[tilespmem:$0xE080] =	vst v63  }
0x86: {  	_ = 	snop  }
0x87: {  	[hbm4b:s8+s2] =	stream.indirect_vreg.scatter [tilespmem:s22], [sflag:$0x1], $0x80, v4, vm1, $0xb8;
	[tilespmem:$0xE080] =	vst v63  }
0x88: {  	_ = 	snop  }
0x89: {  	[hbm4b:s5+s2] =	stream.indirect_vreg.scatter [tilespmem:s15], [sflag:$0x1], $0x80, v3, vm0, $0xb8;
	[tilespmem:$0xE080] =	vst v63  }
0x8a: {  	s0 =	rddreg [dreg:$0x1d]  }
0x8b: {  	[hbm4b:s6+s2] =	stream.indirect_vreg.scatter [tilespmem:s0], [sflag:$0x1], $0x80, v3, vm0, $0xb8;
	[tilespmem:$0xE080] =	vst v63  }
0x8c: {  	s30 =	rddreg [dreg:$0x1e]  }
0x8d: {  	[hbm4b:s7+s2] =	stream.indirect_vreg.scatter [tilespmem:s30], [sflag:$0x1], $0x80, v3, vm0, $0xb8;
	[tilespmem:$0xE080] =	vst v63  }
0x8e: {  	_ = 	snop  }
0x8f: {  	[hbm4b:s8+s2] =	stream.indirect_vreg.scatter [tilespmem:s23], [sflag:$0x1], $0x80, v3, vm1, $0xb8;
	[tilespmem:$0xE080] =	vst v63  }
0x90: {  	v3 =	vld [tilespmem:$0x30];
	_ =	sdelay $0x4  }
0x91: {  	v63 =	vshrl.u32 v3, $0x3  }
0x92: {  	v4 =	vmul.u32 $0x38, v63  }
0x93: {  	v3 =	vand.u32 $0x7, v3  }
0x94: {  	v3 =	vor.u32 v3, v4  }
0x95: {  	v4 =	vperm.xlane v3, v0;
	_ =	sdelay $0x1  }
0x96: {  	v4 =	vadd.s32 v1, v4;
	_ =	sdelay $0x4  }
0x97: {  	[hbm4b:s5+s2] =	stream.indirect_vreg.scatter [tilespmem:s16], [sflag:$0x1], $0x80, v4, vm0, $0xb8;
	[tilespmem:$0xE080] =	vst v63  }
0x98: {  	s30 =	rddreg [dreg:$0x1f];
	v3 =	vperm.xlane v3, v2  }
0x99: {  	[hbm4b:s6+s2] =	stream.indirect_vreg.scatter [tilespmem:s30], [sflag:$0x1], $0x80, v4, vm0, $0xb8;
	[tilespmem:$0xE080] =	vst v63  }
0x9a: {  	v3 =	vadd.s32 v1, v3;
	s30 =	simm.s32 $0xB880  }
0x9b: {  	[hbm4b:s7+s2] =	stream.indirect_vreg.scatter [tilespmem:s30], [sflag:$0x1], $0x80, v4, vm0, $0xb8;
	[tilespmem:$0xE080] =	vst v63  }
0x9c: {  	_ = 	snop  }
0x9d: {  	[hbm4b:s8+s2] =	stream.indirect_vreg.scatter [tilespmem:s24], [sflag:$0x1], $0x80, v4, vm1, $0xb8;
	[tilespmem:$0xE080] =	vst v63  }
0x9e: {  	_ = 	snop  }
0x9f: {  	[hbm4b:s5+s2] =	stream.indirect_vreg.scatter [tilespmem:s17], [sflag:$0x1], $0x80, v3, vm0, $0xb8;
	[tilespmem:$0xE080] =	vst v63  }
0xa0: {  	_ = 	snop  }
0xa1: {  	[hbm4b:s6+s2] =	stream.indirect_vreg.scatter [tilespmem:s31], [sflag:$0x1], $0x80, v3, vm0, $0xb8;
	[tilespmem:$0xE080] =	vst v63  }
0xa2: {  	p0 =	sne.s32 s9, $0x1  }
0xa3: {  	[hbm4b:s7+s2] =	stream.indirect_vreg.scatter [tilespmem:s1], [sflag:$0x1], $0x80, v3, vm0, $0xb8;
	[tilespmem:$0xE080] =	vst v63  }
.Ltmp0:
0xa4: {  	_ = 	snop;
	(pc) =	sbr.rel @p0 .LBB2_1-.Ltmp0, $4  }
0xa5: {  	[hbm4b:s8+s2] =	stream.indirect_vreg.scatter [tilespmem:s25], [sflag:$0x1], $0x80, v3, vm1, $0xb8;
	[tilespmem:$0xE080] =	vst v63  }
0xa6: {  	_ =	swait.ge [sflag:s28], $0xE000  }
0xa7: {  	[sflag:s28] =	ssyncset.done $0x0  }
0xa8: {  	s9 =	sadd.s32 $0xFFFFFFFF, s9;
	[sflag:s28] =	ssyncadd.s32 $0xFFFF2000  }
0xa9: {  	_ =	sfence.sel $0x180000  }
0xaa: {  	[bflag:$0x0] =	sbarrier.arrive $0xFFFF  }
0xab: {  	_ =	strace $0x90000047  }
0xac: {  	s0 =	stileid.u32;
	[bflag:$0x2] =	sbarrier.arrive $0xFFFF  }
0xad: {  	p0 =	sne.s32 s0, $0x0;
	s0 =	rddreg [dreg:$0x3]  }
0xae: {  	s0 =	sadd.s32 @!p0 $0x100000, s0  }
0xaf: {  	[sflag:s0] =	ssyncadd.tile.s32 @!p0 $0x1;
	_ =	shalt  }
.Lfunc_end2:
_tile_overlayer_lowered:
.L_overlay_start_2:
0xb0: {  	(tag) =	ssettag $0x2  }
0xb1: {  	s0 =	rddreg [dreg:$0x0];
	s2 =	stileid.u32  }
0xb2: {  	s1 =	rddreg [dreg:$0x1];
	p0 =	sne.s32 s2, $0x0  }
0xb3: {  	s3 =	rddreg [dreg:$0x2];
	[bflag:$0x3] =	sbarrier.arrive $0xFFFF;
	s2 =	simm.s32 @!p0 $0x1C03  }
0xb4: {  	[timem:s3], [sflag:s2] =	dma.local @!p0 [hbm:s0], s1  }
0xb5: {  	s0 =	simm.s32 @!p0 $0x3  }
0xb6: {  	_ =	swait.ge @!p0 [sflag:s0], s1  }
0xb7: {  	s1 =	ssub.s32 @!p0 $0x0, s1;
	[sflag:s0] =	ssyncset.done @!p0 $0x0  }
0xb8: {  	[sflag:s0] =	ssyncadd.s32 @!p0 s1  }
0xb9: {  	[bflag:$0x3] =	sbarrier.arrive $0xFFFF  }
0xba: {  	_ =	shalt  }

// kernel: kernel.9.cloned.1.call-start
scs
__scs_entry_jumppad:
0x0: {  	(pc) =	sbr.rel $0x88, $3  }
0x1: {  	(tag) =	ssettag $0x0;
	lr =	simm.s32 $0x1  }
0x2: {  	[smem:$0x3F9D] =	sst lr;
	_ =	strace $0xD0000000  }
0x3: {  	_ = 	snop  }
0x4: {  	_ = 	snop  }
0x5: {  	_ = 	snop  }
0x6: {  	_ = 	snop  }
0x7: {  	_ = 	snop  }
__scs_overlays_trampoline_lowered:
0x8: {  	[smem:$0x3FAC] =	sst s0  }
0x9: {  	[smem:$0x3FAD] =	sst s1  }
0xa: {  	[smem:$0x3FAE] =	sst s2  }
0xb: {  	[smem:$0x3FAF] =	sst s3  }
0xc: {  	[smem:$0x3FB0] =	sst s4  }
0xd: {  	[smem:$0x3FB1] =	sst s5  }
0xe: {  	[smem:$0x3FB2] =	sst s6  }
0xf: {  	[smem:$0x3FB3] =	sst s7  }
0x10: {  	[smem:$0x3FB4] =	sst s8  }
0x11: {  	[smem:$0x3FB5] =	sst s9;
	s0 =	simm.s32 @!p0 $0x0  }
0x12: {  	s1 =	sld [smem:$0x3F9B];
	s0 =	simm.s32 @p0 $0x1  }
0x13: {  	[smem:$0x3FB6] =	sst s0;
	s0 =	simm.s32 @!p1 $0x0  }
0x14: {  	s2 =	sld [smem:$0x3F9A];
	s0 =	simm.s32 @p1 $0x1  }
0x15: {  	[smem:$0x3FB7] =	sst s0;
	s0 =	simm.s32 @!p2 $0x0  }
0x16: {  	s3 =	sld [smem:$0x3FDB];
	s0 =	simm.s32 @p2 $0x1  }
0x17: {  	s4 =	simm.s32 $0x1BF5;
	[smem:$0x3FB9] =	sst s0  }
0x18: {  	s0 =	sld [smem:$0x3F9C];
	_ =	swait.ge [sflag:s4], $0x0  }
0x19: {  	s7 =	sld [smem:$0x3F9D]  }
0x1a: {  	s8 =	sadd.s32 $0xFFFFE003, lr  }
0x1b: {  	s9 =	sadd.s32 $0xFFFFFEF7, lr;
	s5 =	simm.s32 $0xFFFFFFFF;
	p2 =	slt.u32 s8, $0xFFFFF086  }
0x1c: {  	p1 =	slt.u32 s9, $0xF7A;
	s5 =	simm.s32 @!p2 $0x0  }
0x1d: {  	s5 =	simm.s32 @p1 $0x1;
	p0 =	seq.s32 s7, s2  }
0x1e: {  	s7 =	smul.u32 @!p0 $0xF7A, s2;
	p2 =	seq.s32 @!p0 s5, $0x0  }
0x1f: {  	s9 =	smul.u32 $0xF7A, s1;
	s8 =	simm.s32 @!p0 $0x1BF5;
	p2 =	por !p2, p0  }
0x20: {  	[sflag:s8] =	ssyncset.s32 @!p0 $0xFFFFF086;
	s6 =	sadd.s32 @!p0 s3, s7;
	s7 =	simm.s32 @!p0 $0x108  }
0x21: {  	s3 =	sadd.s32 s3, s9;
	s6 =	sadd.s32 @!p0 $0x88, s6;
	s7 =	simm.s32 @p2 $0x1082  }
0x22: {  	[simem:s7], [sflag:s8] =	dma.local @!p0 [hbm:s6], $0xF7A  }
0x23: {  	s9 =	sor.u32 $0xD0000000, s2;
	s6 =	simm.s32 $0x108;
	_ =	swait.ge @!p0 [sflag:s8], $0x0  }
0x24: {  	s3 =	sadd.s32 $0x88, s3;
	s6 =	simm.s32 @!p1 $0x1082;
	[sflag:s4] =	ssyncset.s32 $0xFFFFF086  }
0x25: {  	[simem:s6], [sflag:s4] =	dma.local [hbm:s3], $0xF7A  }
0x26: {  	[smem:$0x3F9D] =	sst s1;
	(tag) =	ssettag s2;
	_ =	strace s9  }
0x27: {  	s1 =	sld [smem:$0x3FAD]  }
0x28: {  	s2 =	sld [smem:$0x3FAE]  }
0x29: {  	s4 =	sld [smem:$0x3FB0]  }
0x2a: {  	p0 =	seq.s32 s5, $0x0;
	s5 =	sld [smem:$0x3FB1]  }
0x2b: {  	s6 =	sld [smem:$0x3FB2]  }
0x2c: {  	s7 =	sld [smem:$0x3FB3]  }
0x2d: {  	s3 =	simm.s32 $0x108;
	s8 =	sld [smem:$0x3FB4]  }
0x2e: {  	s3 =	simm.s32 @!p0 $0x1082;
	s9 =	sld [smem:$0x3FB5]  }
0x2f: {  	lr =	sadd.s32 s0, s3;
	s0 =	sld [smem:$0x3FAC]  }
0x30: {  	s3 =	sld [smem:$0x3FAF]  }
0x31: {  	[smem:$0x3FB8] =	sst s10  }
0x32: {  	s10 =	sld [smem:$0x3FB6];
	_ =	sdelay $0x3  }
0x33: {  	p0 =	seq.s32 s10, $0x1;
	s10 =	sld [smem:$0x3FB8];
	_ =	sdelay $0x3  }
0x34: {  	[smem:$0x3FB8] =	sst s10  }
0x35: {  	s10 =	sld [smem:$0x3FB7];
	_ =	sdelay $0x3  }
0x36: {  	p1 =	seq.s32 s10, $0x1;
	s10 =	sld [smem:$0x3FB8];
	_ =	sdelay $0x3  }
0x37: {  	[smem:$0x3FB8] =	sst s10  }
0x38: {  	s10 =	sld [smem:$0x3FB9]  }
0x39: {  	_ = 	snop;
	(pc) =	sbr.ind lr, $3  }
0x3a: {  	_ = 	snop  }
0x3b: {  	_ = 	snop  }
0x3c: {  	p2 =	seq.s32 s10, $0x1;
	s10 =	sld [smem:$0x3FB8]  }
0x3d: {  	_ =	shalt  }
0x3e: {  	_ =	shalt  }
0x3f: {  	_ =	shalt  }
0x40: {  	_ =	shalt  }
0x41: {  	_ =	shalt  }
0x42: {  	_ =	shalt  }
0x43: {  	_ =	shalt  }
0x44: {  	_ =	shalt  }
0x45: {  	_ =	shalt  }
0x46: {  	_ =	shalt  }
0x47: {  	_ =	shalt  }
0x48: {  	_ =	shalt  }
0x49: {  	_ =	shalt  }
0x4a: {  	_ =	shalt  }
0x4b: {  	_ =	shalt  }
0x4c: {  	_ =	shalt  }
0x4d: {  	_ =	shalt  }
0x4e: {  	_ =	shalt  }
0x4f: {  	_ =	shalt  }
0x50: {  	_ =	shalt  }
0x51: {  	_ =	shalt  }
0x52: {  	_ =	shalt  }
0x53: {  	_ =	shalt  }
0x54: {  	_ =	shalt  }
0x55: {  	_ =	shalt  }
0x56: {  	_ =	shalt  }
0x57: {  	_ =	shalt  }
0x58: {  	_ =	shalt  }
0x59: {  	_ =	shalt  }
0x5a: {  	_ =	shalt  }
0x5b: {  	_ =	shalt  }
0x5c: {  	_ =	shalt  }
0x5d: {  	_ =	shalt  }
0x5e: {  	_ =	shalt  }
0x5f: {  	_ =	shalt  }
0x60: {  	_ =	shalt  }
0x61: {  	_ =	shalt  }
0x62: {  	_ =	shalt  }
0x63: {  	_ =	shalt  }
0x64: {  	_ =	shalt  }
0x65: {  	_ =	shalt  }
0x66: {  	_ =	shalt  }
0x67: {  	_ =	shalt  }
0x68: {  	_ =	shalt  }
0x69: {  	_ =	shalt  }
0x6a: {  	_ =	shalt  }
0x6b: {  	_ =	shalt  }
0x6c: {  	_ =	shalt  }
0x6d: {  	_ =	shalt  }
0x6e: {  	_ =	shalt  }
0x6f: {  	_ =	shalt  }
0x70: {  	_ =	shalt  }
0x71: {  	_ =	shalt  }
0x72: {  	_ =	shalt  }
0x73: {  	_ =	shalt  }
0x74: {  	_ =	shalt  }
0x75: {  	_ =	shalt  }
0x76: {  	_ =	shalt  }
0x77: {  	_ =	shalt  }
0x78: {  	_ =	shalt  }
0x79: {  	_ =	shalt  }
0x7a: {  	_ =	shalt  }
0x7b: {  	_ =	shalt  }
0x7c: {  	_ =	shalt  }
0x7d: {  	_ =	shalt  }
0x7e: {  	_ =	shalt  }
0x7f: {  	_ =	shalt  }
0x80: {  	_ =	shalt  }
0x81: {  	_ =	shalt  }
0x82: {  	_ =	shalt  }
0x83: {  	_ =	shalt  }
0x84: {  	_ =	shalt  }
0x85: {  	_ =	shalt  }
0x86: {  	_ =	shalt  }
0x87: {  	_ =	shalt  }
.Lfunc_end0:
.L_simem_size_0:
called_computation.1_lowered:
.L_overlay_start_0:
0x88: {  	s2 =	sld [smem:$0x3FD9]  }
0x89: {  	s3 =	sld [smem:$0x3FFE];
	_ =	sdelay $0x1  }
0x8a: {  	s1 =	srdreg.scid  }
0x8b: {  	s0 =	sand.u32 $0x1, s1  }
0x8c: {  	s14 =	sshll.u32 s0, $0xA;
	s2 =	sadd.s32 s3, s2  }
0x8d: {  	s2 =	sadd.s32 s2, s14  }
0x8e: {  	[smem:$0x3FC4] =	sst s2  }
0x8f: {  	_ = 	snop  }
0x90: {  	s2 =	sld [smem:$0x3FD0];
	_ =	sdelay $0x2  }
0x91: {  	s15 =	simm.s32 $0xA;
	s4 =	simm.s32 $0x10  }
0x92: {  	[smem:s4], [sflag:s15] =	dma.local [hbm:s2], $0x1  }
0x93: {  	_ =	swait.eq [sflag:s15], $0x1  }
0x94: {  	[sflag:s15] =	ssyncset.done $0x0  }
0x95: {  	[sflag:s15] =	ssyncadd.s32 $0xFFFFFFFF  }
0x96: {  	s16 =	sld [smem:$0x10];
	(tm) =	ssettm $0x1  }
0x97: {  	s17 =	sld [smem:$0x3FFB];
	_ =	sdelay $0x3  }
0x98: {  	_ =	strace s17  }
0x99: {  	s3 =	sld [smem:$0x3FFC];
	_ =	sdelay $0x3  }
0x9a: {  	_ =	strace s3  }
0x9b: {  	s3 =	sld [smem:$0x3FFD];
	_ =	sdelay $0x3  }
0x9c: {  	_ =	strace s3  }
0x9d: {  	_ =	strace $0x8FFFFFFF  }
0x9e: {  	s18 =	sld [smem:$0x3FDB];
	_ =	sdelay $0x1  }
0x9f: {  	s19 =	simm.s32 $_scs_section_size  }
0xa0: {  	s5 =	simm.s32 $_size__tile_overlayer_lowered;
	s6 =	simm.s32 $_tile_overlayer_lowered  }
0xa1: {  	s22 =	simm.s32 $0x1BFF;
	s21 =	sshll.u32 s6, $0x1;
	s3 =	sadd.s32 s19, s18  }
0xa2: {  	s7 =	simm.s32 $0x0;
	s20 =	sshll.u32 s5, $0x1;
	s5 =	sadd.s32 s21, s3  }
0xa3: {  	[timem:s7], [sflag:s22] =	dma.local [hbm:s5], s20  }
0xa4: {  	_ =	swait.ge [sflag:s22], s20  }
0xa5: {  	s4 =	ssub.s32 $0x0, s20;
	[sflag:s22] =	ssyncset.done $0x0  }
0xa6: {  	[sflag:s22] =	ssyncadd.s32 s4;
	_ =	sdelay $0x1  }
0xa7: {  	s23 =	simm.s32 $0x1B8B  }
0xa8: {  	_ =	swait.ge [sflag:s23], $0x1  }
0xa9: {  	[sflag:s23] =	ssyncset.done $0x0  }
0xaa: {  	s25 =	simm.s32 $0x1B8E;
	s24 =	sld [smem:$0x3FFE];
	[sflag:s23] =	ssyncadd.s32 $0xFFFFFFFF  }
0xab: {  	s26 =	simm.s32 $execute0_lowered;
	[smem:$0x3FD2] =	sst s25  }
0xac: {  	s5 =	sshll.u32 s26, $0x1;
	_ =	strace $0x80000049;
	[dreg:$0x1] =	wrdreg $0xFFFFFFFF  }
0xad: {  	s28 =	simm.s32 $_size_execute0_lowered;
	s3 =	sadd.s32 s3, s5;
	[dreg:$0x0] =	wrdreg $0x0  }
0xae: {  	s5 =	sshll.u32 s28, $0x1;
	[dreg:$0x2] =	wrdreg s3  }
0xaf: {  	[dreg:$0x3] =	wrdreg s5  }
0xb0: {  	[dreg:$0x4] =	wrdreg $0xC0  }
0xb1: {  	_ =	task [dreg:s7], $0x5FFFF  }
0xb2: {  	[dreg:$0x1] =	wrdreg $0xFFFFFFFF  }
0xb3: {  	[dreg:$0x0] =	wrdreg $0x60  }
0xb4: {  	[dreg:$0x2] =	wrdreg s24  }
0xb5: {  	[dreg:$0x3] =	wrdreg s16  }
0xb6: {  	[dreg:$0x4] =	wrdreg $0x9  }
0xb7: {  	_ =	task.clear_ibuf [dreg:s7], $0x5FFFF;
	_ =	strace $0x90000049  }
0xb8: {  	s29 =	simm.s32 $0x9;
	_ =	strace $0x8000004B  }
0xb9: {  	_ =	swait.ge [sflag:s29], $0x1  }
0xba: {  	[sflag:s29] =	ssyncadd.s32 $0xFFFFFFFF  }
0xbb: {  	_ =	strace $0x9000004B  }
0xbc: {  	_ =	sfence  }
0xbd: {  	s30 =	sld [smem:$0x0];
	_ =	sdelay $0x2  }
0xbe: {  	s31 =	sshll.u32 s1, $0xD;
	s1 =	sshrl.u32 s1, $0x2  }
0xbf: {  	s3 =	sand.u32 $0x4000, s31;
	s1 =	sadd.s32 s1, s30  }
0xc0: {  	s0 =	sor.u32 s3, s0;
	s1 =	sshll.u32 s1, $0x11  }
0xc1: {  	s0 =	sor.u32 s1, s0  }
0xc2: {  	s0 =	sadd.s32 $0x8F2B, s0  }
0xc3: {  	[sflag:s0] =	ssyncadd.remote.s32 $0x1  }
0xc4: {  	_ =	sfence.sel $0xFFFF  }
0xc5: {  	[dreg:$0x0] =	wrdreg $0xFFFFFFFF;
	(pc) =	sbr.abs _section_cstart, $3  }
0xc6: {  	[dreg:$0x1] =	wrdreg $0xFFFFFFFF  }
0xc7: {  	_ =	task.clear_ibuf [dreg:s7], $0x2FFFF;
	_ =	strace $0x9FFFFFFF  }
0xc8: {  	(tm) =	ssettm $0x7FFFFFFF  }
0xc9: {  	_ =	shalt  }
tec
execute0_lowered:
.L_overlay_start_1:
0x0: {  	(tag) =	ssettag $0x1  }
0x1: {  	s0 =	rddreg [dreg:$0x0]  }
0x2: {  	s5 =	rddreg [dreg:$0x1];
	s3 =	srdreg.scid  }
0x3: {  	s2 =	simm.s32 $0x0;
	s1 =	stileid.u32;
	s26 =	simm.s32 $0x880  }
0x4: {  	s10 =	simm.s32 $0x1880;
	s11 =	simm.s32 $0x2080;
	s12 =	simm.s32 $0x2880  }
0x5: {  	s13 =	simm.s32 $0x3080;
	s14 =	simm.s32 $0x3880;
	s15 =	simm.s32 $0x4080  }
0x6: {  	s16 =	simm.s32 $0x4880;
	s17 =	simm.s32 $0x5080;
	s18 =	simm.s32 $0x5880  }
0x7: {  	s19 =	simm.s32 $0x6080;
	s20 =	simm.s32 $0x6880;
	s21 =	simm.s32 $0x7080  }
0x8: {  	s22 =	simm.s32 $0x7880;
	s28 =	simm.s32 $0xA080;
	s29 =	simm.s32 $0xA880  }
0x9: {  	s30 =	simm.s32 $0xB080;
	s31 =	simm.s32 $0xB880;
	s3 =	sand.u32 $0x1, s3  }
0xa: {  	[smem:$0x7FF] =	sst s2;
	s4 =	sshll.u32 s1, $0x4;
	s6 =	sshll.u32 s3, $0x3  }
0xb: {  	_ =	strace $0x8000004A;
	s23 =	ssub.s32 $0x2, s3;
	s3 =	sadd.s32 $0x9600, s0  }
0xc: {  	[dreg:$0x5] =	wrdreg s26;
	s26 =	simm.s32 $0x9880;
	s4 =	sor.u32 s6, s4  }
0xd: {  	s8 =	sshrl.u32 s23, $0x1;
	s7 =	sadd.s32 s4, s0;
	s9 =	smul.u32 $0x300, s4  }
0xe: {  	s6 =	ssub.s32 s23, s8;
	s4 =	sadd.s32 $0x9700, s0;
	s8 =	simm.s32 $0x80  }
0xf: {  	s23 =	simm.s32 $0x8080;
	s24 =	sadd.s32 $0x9400, s7;
	s6 =	smax.u32 s6, $0x1  }
0x10: {  	v2 =	vlaneseq.u32;
	s7 =	simm.s32 $0x2;
	[dreg:$0x3] =	wrdreg s24;
	s25 =	sadd.s32 s5, s9  }
0x11: {  	vm0 =	vmmov $0xffff;
	v1 =	vshrl.u32 v2, $0x3;
	s5 =	sadd.s32 $0x9800, s0;
	s9 =	simm.s32 $0x1080;
	s24 =	simm.s32 $0x8880  }
0x12: {  	v0 =	vand.u32 $0x7, v2;
	v2 =	vor.u32 $0x8, v2;
	v1 =	vmul.u32 $0x8, v1;
	s0 =	simm.s32 $0x1;
	[dreg:$0x4] =	wrdreg s25;
	s25 =	simm.s32 $0x9080  }
.LBB2_1:
0x13: {  	s1 =	rddreg [dreg:$0x3]  }
0x14: {  	[tilespmem:s2], [sflag:$0x2] =	stream.linear.gather [hbm4b:s1+s2], $0x40, $0x38;
	[tilespmem:$0xC080] =	vst v63  }
0x15: {  	_ =	swait.ge [sflag:s7], $0x40  }
0x16: {  	[sflag:s7] =	ssyncset.done $0x0  }
0x17: {  	[sflag:s7] =	ssyncadd.s32 $0xFFFFFFC0  }
0x18: {  	v3 =	vld [tilespmem:$0x0];
	_ =	sdelay $0x4  }
0x19: {  	v4 =	vshrl.u32 v3, $0x3  }
0x1a: {  	v4 =	vmul.u32 $0x30, v4  }
0x1b: {  	v3 =	vand.u32 $0x7, v3  }
0x1c: {  	v3 =	vor.u32 v3, v4  }
0x1d: {  	v4 =	vperm.xlane v3, v0;
	_ =	sdelay $0x1  }
0x1e: {  	v4 =	vadd.s32 v1, v4;
	_ =	sdelay $0x3  }
0x1f: {  	v3 =	vperm.xlane v3, v2  }
0x20: {  	[tilespmem:s8], [sflag:$0x1] =	stream.indirect_vreg.gather [hbm4b:s3+s2], $0x80, v4, vm0, $0xb8;
	[tilespmem:$0xC080] =	vst v63  }
0x21: {  	s1 =	rddreg [dreg:$0x5];
	v3 =	vadd.s32 v1, v3  }
0x22: {  	[tilespmem:s1], [sflag:$0x1] =	stream.indirect_vreg.gather [hbm4b:s4+s2], $0x80, v4, vm0, $0xb8;
	[tilespmem:$0xC080] =	vst v63  }
0x23: {  	_ = 	snop  }
0x24: {  	[tilespmem:s9], [sflag:$0x1] =	stream.indirect_vreg.gather [hbm4b:s5+s2], $0x80, v4, vm0, $0xb8;
	[tilespmem:$0xC080] =	vst v63  }
0x25: {  	_ = 	snop  }
0x26: {  	[tilespmem:s10], [sflag:$0x1] =	stream.indirect_vreg.gather [hbm4b:s3+s2], $0x80, v3, vm0, $0xb8;
	[tilespmem:$0xC080] =	vst v63  }
0x27: {  	_ = 	snop  }
0x28: {  	[tilespmem:s11], [sflag:$0x1] =	stream.indirect_vreg.gather [hbm4b:s4+s2], $0x80, v3, vm0, $0xb8;
	[tilespmem:$0xC080] =	vst v63  }
0x29: {  	_ = 	snop  }
0x2a: {  	[tilespmem:s12], [sflag:$0x1] =	stream.indirect_vreg.gather [hbm4b:s5+s2], $0x80, v3, vm0, $0xb8;
	[tilespmem:$0xC080] =	vst v63  }
0x2b: {  	v3 =	vld [tilespmem:$0x10];
	_ =	sdelay $0x4  }
0x2c: {  	v61 =	vshrl.u32 v3, $0x3  }
0x2d: {  	v4 =	vmul.u32 $0x30, v61  }
0x2e: {  	v3 =	vand.u32 $0x7, v3  }
0x2f: {  	v3 =	vor.u32 v3, v4  }
0x30: {  	v4 =	vperm.xlane v3, v0;
	_ =	sdelay $0x1  }
0x31: {  	v4 =	vadd.s32 v1, v4;
	_ =	sdelay $0x3  }
0x32: {  	v3 =	vperm.xlane v3, v2  }
0x33: {  	[tilespmem:s13], [sflag:$0x1] =	stream.indirect_vreg.gather [hbm4b:s3+s2], $0x80, v4, vm0, $0xb8;
	[tilespmem:$0xC080] =	vst v63  }
0x34: {  	v3 =	vadd.s32 v1, v3  }
0x35: {  	[tilespmem:s14], [sflag:$0x1] =	stream.indirect_vreg.gather [hbm4b:s4+s2], $0x80, v4, vm0, $0xb8;
	[tilespmem:$0xC080] =	vst v63  }
0x36: {  	_ = 	snop  }
0x37: {  	[tilespmem:s15], [sflag:$0x1] =	stream.indirect_vreg.gather [hbm4b:s5+s2], $0x80, v4, vm0, $0xb8;
	[tilespmem:$0xC080] =	vst v63  }
0x38: {  	_ = 	snop  }
0x39: {  	[tilespmem:s16], [sflag:$0x1] =	stream.indirect_vreg.gather [hbm4b:s3+s2], $0x80, v3, vm0, $0xb8;
	[tilespmem:$0xC080] =	vst v63  }
0x3a: {  	_ = 	snop  }
0x3b: {  	[tilespmem:s17], [sflag:$0x1] =	stream.indirect_vreg.gather [hbm4b:s4+s2], $0x80, v3, vm0, $0xb8;
	[tilespmem:$0xC080] =	vst v63  }
0x3c: {  	_ = 	snop  }
0x3d: {  	[tilespmem:s18], [sflag:$0x1] =	stream.indirect_vreg.gather [hbm4b:s5+s2], $0x80, v3, vm0, $0xb8;
	[tilespmem:$0xC080] =	vst v63  }
0x3e: {  	v3 =	vld [tilespmem:$0x20];
	_ =	sdelay $0x4  }
0x3f: {  	v62 =	vshrl.u32 v3, $0x3  }
0x40: {  	v4 =	vmul.u32 $0x30, v62  }
0x41: {  	v3 =	vand.u32 $0x7, v3  }
0x42: {  	v3 =	vor.u32 v3, v4  }
0x43: {  	v4 =	vperm.xlane v3, v0;
	_ =	sdelay $0x1  }
0x44: {  	v4 =	vadd.s32 v1, v4;
	_ =	sdelay $0x3  }
0x45: {  	v3 =	vperm.xlane v3, v2  }
0x46: {  	[tilespmem:s19], [sflag:$0x1] =	stream.indirect_vreg.gather [hbm4b:s3+s2], $0x80, v4, vm0, $0xb8;
	[tilespmem:$0xC080] =	vst v63  }
0x47: {  	v3 =	vadd.s32 v1, v3  }
0x48: {  	[tilespmem:s20], [sflag:$0x1] =	stream.indirect_vreg.gather [hbm4b:s4+s2], $0x80, v4, vm0, $0xb8;
	[tilespmem:$0xC080] =	vst v63  }
0x49: {  	_ = 	snop  }
0x4a: {  	[tilespmem:s21], [sflag:$0x1] =	stream.indirect_vreg.gather [hbm4b:s5+s2], $0x80, v4, vm0, $0xb8;
	[tilespmem:$0xC080] =	vst v63  }
0x4b: {  	_ = 	snop  }
0x4c: {  	[tilespmem:s22], [sflag:$0x1] =	stream.indirect_vreg.gather [hbm4b:s3+s2], $0x80, v3, vm0, $0xb8;
	[tilespmem:$0xC080] =	vst v63  }
0x4d: {  	_ = 	snop  }
0x4e: {  	[tilespmem:s23], [sflag:$0x1] =	stream.indirect_vreg.gather [hbm4b:s4+s2], $0x80, v3, vm0, $0xb8;
	[tilespmem:$0xC080] =	vst v63  }
0x4f: {  	_ = 	snop  }
0x50: {  	[tilespmem:s24], [sflag:$0x1] =	stream.indirect_vreg.gather [hbm4b:s5+s2], $0x80, v3, vm0, $0xb8;
	[tilespmem:$0xC080] =	vst v63  }
0x51: {  	v3 =	vld [tilespmem:$0x30];
	_ =	sdelay $0x4  }
0x52: {  	v63 =	vshrl.u32 v3, $0x3  }
0x53: {  	v4 =	vmul.u32 $0x30, v63  }
0x54: {  	v3 =	vand.u32 $0x7, v3  }
0x55: {  	v3 =	vor.u32 v3, v4  }
0x56: {  	v4 =	vperm.xlane v3, v0;
	_ =	sdelay $0x1  }
0x57: {  	v4 =	vadd.s32 v1, v4;
	_ =	sdelay $0x3  }
0x58: {  	v3 =	vperm.xlane v3, v2  }
0x59: {  	[tilespmem:s25], [sflag:$0x1] =	stream.indirect_vreg.gather [hbm4b:s3+s2], $0x80, v4, vm0, $0xb8;
	[tilespmem:$0xC080] =	vst v63  }
0x5a: {  	v3 =	vadd.s32 v1, v3  }
0x5b: {  	[tilespmem:s26], [sflag:$0x1] =	stream.indirect_vreg.gather [hbm4b:s4+s2], $0x80, v4, vm0, $0xb8;
	[tilespmem:$0xC080] =	vst v63  }
0x5c: {  	_ = 	snop  }
0x5d: {  	[tilespmem:s28], [sflag:$0x1] =	stream.indirect_vreg.gather [hbm4b:s5+s2], $0x80, v4, vm0, $0xb8;
	[tilespmem:$0xC080] =	vst v63  }
0x5e: {  	_ = 	snop  }
0x5f: {  	[tilespmem:s29], [sflag:$0x1] =	stream.indirect_vreg.gather [hbm4b:s3+s2], $0x80, v3, vm0, $0xb8;
	[tilespmem:$0xC080] =	vst v63  }
0x60: {  	_ = 	snop  }
0x61: {  	[tilespmem:s30], [sflag:$0x1] =	stream.indirect_vreg.gather [hbm4b:s4+s2], $0x80, v3, vm0, $0xb8;
	[tilespmem:$0xC080] =	vst v63  }
0x62: {  	_ = 	snop  }
0x63: {  	[tilespmem:s31], [sflag:$0x1] =	stream.indirect_vreg.gather [hbm4b:s5+s2], $0x80, v3, vm0, $0xb8;
	[tilespmem:$0xC080] =	vst v63  }
0x64: {  	_ =	swait.ge [sflag:s0], $0xC000  }
0x65: {  	p0 =	sne.s32 s6, $0x1;
	[sflag:s0] =	ssyncset.done $0x0  }
.Ltmp0:
0x66: {  	s1 =	rddreg [dreg:$0x4];
	[sflag:s0] =	ssyncadd.s32 $0xFFFF4000;
	(pc) =	sbr.rel @p0 .LBB2_1-.Ltmp0, $4  }
0x67: {  	[hbm4b:s1+s2] =	stream.linear.scatter [tilespmem:s8], [sflag:$0x2], $0xC000, $0x38;
	[tilespmem:$0xC080] =	vst v63  }
0x68: {  	_ =	swait.ge [sflag:s7], $0xC000  }
0x69: {  	[sflag:s7] =	ssyncset.done $0x0  }
0x6a: {  	s6 =	sadd.s32 $0xFFFFFFFF, s6;
	[sflag:s7] =	ssyncadd.s32 $0xFFFF4000  }
0x6b: {  	_ =	sfence.sel $0x180000  }
0x6c: {  	[bflag:$0x0] =	sbarrier.arrive $0xFFFF  }
0x6d: {  	_ =	strace $0x9000004A  }
0x6e: {  	s0 =	stileid.u32;
	[bflag:$0x2] =	sbarrier.arrive $0xFFFF  }
0x6f: {  	p0 =	sne.s32 s0, $0x0;
	s0 =	rddreg [dreg:$0x2]  }
0x70: {  	s0 =	sadd.s32 @!p0 $0x100000, s0  }
0x71: {  	[sflag:s0] =	ssyncadd.tile.s32 @!p0 $0x1;
	_ =	shalt  }
.Lfunc_end2:
_tile_overlayer_lowered:
.L_overlay_start_2:
0x72: {  	(tag) =	ssettag $0x2  }
0x73: {  	s0 =	rddreg [dreg:$0x0];
	s2 =	stileid.u32  }
0x74: {  	s1 =	rddreg [dreg:$0x1];
	p0 =	sne.s32 s2, $0x0  }
0x75: {  	s3 =	rddreg [dreg:$0x2];
	[bflag:$0x3] =	sbarrier.arrive $0xFFFF;
	s2 =	simm.s32 @!p0 $0x1C02  }
0x76: {  	[timem:s3], [sflag:s2] =	dma.local @!p0 [hbm:s0], s1  }
0x77: {  	s0 =	simm.s32 @!p0 $0x2  }
0x78: {  	_ =	swait.ge @!p0 [sflag:s0], s1  }
0x79: {  	s1 =	ssub.s32 @!p0 $0x0, s1;
	[sflag:s0] =	ssyncset.done @!p0 $0x0  }
0x7a: {  	[sflag:s0] =	ssyncadd.s32 @!p0 s1  }
0x7b: {  	[bflag:$0x3] =	sbarrier.arrive $0xFFFF  }
0x7c: {  	_ =	shalt  }

</sc_bundles>
